<compile_context>
chip_gen: v7x
topology: tpu7x:2x2x1
jax: 0.10.2.dev20260603
libtpu: 0.0.44.dev20260713+nightly
codegen_flags: <defaults>
</compile_context>

<pallas_src>
import functools

import jax
import jax.numpy as jnp
from jax import lax
from jax.experimental import pallas as pl
from jax.experimental.pallas import tpu as pltpu
from jax.experimental.pallas import tpu_sc as plsc

_S = 20000
_SPAD = 20480
_D = 256
_R = 2048
_NT = _SPAD // _R
_BUDGET = 64
_NEG = -1e9
_PHASES = 2

_NC = 2
_NW = 32


@functools.cache
def _sc_gather(nrows, ch):
    bpw = nrows // _NW
    nch = bpw // ch

    @functools.partial(
        pl.kernel,
        mesh=plsc.VectorSubcoreMesh(core_axis_name="c", subcore_axis_name="s"),
        out_type=jax.ShapeDtypeStruct((nrows, _D), jnp.float32),
        scratch_types=[
            pltpu.VMEM((nch, ch), jnp.int32),
            pltpu.VMEM((2, ch, _D), jnp.float32),
            pltpu.SemaphoreType.DMA,
            pltpu.SemaphoreType.DMA,
        ],
    )
    def gather(idx_hbm, table_hbm, out_hbm, idx_v, rows_v, sem0, sem1):
        wid = lax.axis_index("s") * _NC + lax.axis_index("c")
        base = wid * bpw
        pltpu.sync_copy(idx_hbm.at[wid], idx_v)
        sems = (sem0, sem1)
        cps = [None, None]
        cps[0] = pltpu.async_copy(table_hbm.at[idx_v.at[0]], rows_v.at[0], sem0)
        for t in range(nch):
            if t + 1 < nch:
                b = (t + 1) % 2
                cps[b] = pltpu.async_copy(
                    table_hbm.at[idx_v.at[t + 1]], rows_v.at[b], sems[b])
            cps[t % 2].wait()
            pltpu.sync_copy(rows_v.at[t % 2],
                            out_hbm.at[pl.ds(base + t * ch, ch)])

    return gather


def _score_body(flat_base, g_ref, adj_ref, tar_ref, add_ref, wlabel_ref,
                wsec_ref, w1_ref, w2_ref, l1wt_ref, l1b_ref, l2wt_ref,
                l2b_ref, l3w_ref, l3b_ref, out_ref):
    f32 = jnp.float32
    g = g_ref[...]
    sub = jnp.dot(jnp.dot(g, w1_ref[...], preferred_element_type=f32),
                  w2_ref[...], preferred_element_type=f32)
    concat = jnp.concatenate([
        jnp.broadcast_to(tar_ref[...], (_R, 64)),
        sub,
        jnp.broadcast_to(add_ref[...], (_R, 64)),
        adj_ref[...],
        jnp.broadcast_to(wlabel_ref[...], (_R, 256)),
        jnp.broadcast_to(wsec_ref[...], (_R, 256)),
    ], axis=1)
    h = jnp.dot(concat, l1wt_ref[...], preferred_element_type=f32) + l1b_ref[...]
    h = jnp.where(h >= 0, h, 0.01 * h)
    h = jnp.dot(h, l2wt_ref[...], preferred_element_type=f32) + l2b_ref[...]
    h = jnp.where(h >= 0, h, 0.01 * h)
    sc = lax.dot_general(l3w_ref[...], h, (((1,), (1,)), ((), ())),
                         preferred_element_type=f32) + l3b_ref[...]
    i = pl.program_id(0)
    flat = flat_base + i * _R + lax.broadcasted_iota(jnp.int32, (1, _R), 1)
    out_ref[...] = jnp.where(flat < _S, sc, _NEG).reshape(_R // 128, 128)


def _topk_body(score_ref, disc_ref, u_ref, e_ref):
    rows = _SPAD // 128
    flat = (lax.broadcasted_iota(jnp.int32, (rows, 128), 0) * 128
            + lax.broadcasted_iota(jnp.int32, (rows, 128), 1))
    big = jnp.int32(2**30)
    disc_ref[...] = jnp.zeros((rows, 128), jnp.float32)
    u_ref[...] = score_ref[...] / 0.01
    e_ref[...] = jnp.exp(u_ref[...] - jnp.max(u_ref[...]))

    def it(t, c):
        emax = jnp.max(e_ref[...])
        do_rescale = emax < 1e-20

        @pl.when(do_rescale)
        def _():
            disc_ref[...] = disc_ref[...] + e_ref[...] * c
            e_ref[...] = jnp.exp(u_ref[...] - jnp.max(u_ref[...]))

        c2 = jnp.where(do_rescale, jnp.float32(0.0), c)
        emax2 = jnp.where(do_rescale, jnp.float32(1.0), emax)
        c3 = c2 + 1.0 / jnp.sum(e_ref[...])
        sel = jnp.min(jnp.where(e_ref[...] == emax2, flat, big))
        issel = flat == sel
        disc_ref[...] = disc_ref[...] + jnp.where(issel, emax2 * c3, 0.0)
        e_ref[...] = jnp.where(issel, jnp.float32(0.0), e_ref[...])
        u_ref[...] = jnp.where(issel, jnp.float32(-1e30), u_ref[...])
        return c3

    c_end = lax.fori_loop(0, _BUDGET, it, jnp.float32(0.0))
    disc_ref[...] = disc_ref[...] + e_ref[...] * c_end


def _score_call(g, adj_pad, tar_xw, add_xw, wlabel, wsec,
                w1, w2, l1wt, l1b, l2wt, l2b, l3w, l3b, flat_base=0):
    const = lambda i: (0, 0)
    nrows = g.shape[0]
    return pl.pallas_call(
        functools.partial(_score_body, flat_base),
        grid=(nrows // _R,),
        in_specs=[
            pl.BlockSpec((_R, _D), lambda i: (i, 0)),
            pl.BlockSpec((_R, 1), lambda i: (i, 0)),
            pl.BlockSpec((1, 64), const),
            pl.BlockSpec((1, 64), const),
            pl.BlockSpec((1, 256), const),
            pl.BlockSpec((1, 256), const),
            pl.BlockSpec((256, 128), const),
            pl.BlockSpec((128, 64), const),
            pl.BlockSpec((705, 512), const),
            pl.BlockSpec((1, 512), const),
            pl.BlockSpec((512, 32), const),
            pl.BlockSpec((1, 32), const),
            pl.BlockSpec((1, 32), const),
            pl.BlockSpec((1, 1), const),
        ],
        out_specs=pl.BlockSpec((_R // 128, 128), lambda i: (i, 0)),
        out_shape=jax.ShapeDtypeStruct((nrows // 128, 128), jnp.float32),
    )(g, adj_pad, tar_xw, add_xw, wlabel, wsec, w1, w2, l1wt, l1b, l2wt, l2b,
      l3w, l3b)


def _topk_call(score2d):
    return pl.pallas_call(
        _topk_body,
        out_shape=jax.ShapeDtypeStruct((_SPAD // 128, 128), jnp.float32),
        scratch_shapes=[pltpu.VMEM((_SPAD // 128, 128), jnp.float32),
                        pltpu.VMEM((_SPAD // 128, 128), jnp.float32)],
    )(score2d)


def kernel(budget, target, sub_graph_nodes, new_feat, adj_tensor, wlabel, wsec,
           weight1, weight2, l1_w, l1_b, l2_w, l2_b, l3_w, l3_b):
    f32 = jnp.float32
    tar_xw = (jnp.take(new_feat, target, axis=0) @ weight1) @ weight2
    add_xw = (new_feat[-1:, :] @ weight1) @ weight2

    idx_pad = jnp.concatenate(
        [sub_graph_nodes.astype(jnp.int32), jnp.zeros((_SPAD - _S,), jnp.int32)])
    adj_pad = jnp.concatenate(
        [adj_tensor, jnp.zeros((_SPAD - _S, 1), f32)], axis=0)

    pr = _SPAD // _PHASES
    ch = 80
    weights = (tar_xw, add_xw, wlabel, wsec, weight1, weight2,
               l1_w.T, l1_b[None, :], l2_w.T, l2_b[None, :],
               l3_w, l3_b[None, :])
    gs = [_sc_gather(pr, ch)(
        idx_pad[p * pr:(p + 1) * pr].reshape(_NW, -1, ch), new_feat)
        for p in range(_PHASES)]
    ss = [_score_call(gs[p], adj_pad[p * pr:(p + 1) * pr], *weights,
                      flat_base=p * pr) for p in range(_PHASES)]
    disc2d = _topk_call(jnp.concatenate(ss, axis=0) if _PHASES > 1 else ss[0])
    discrete = disc2d.reshape(-1)[:_S]
    return (discrete, sub_graph_nodes[None, :])

# --- scband reference (transcript-rebuilt; emitter-appended) ---
"""Pipeline reference for scband-edge-generation-9363028706298 (READ-ONLY COPY).

The authoritative reference and input builder live on the scoring server;
editing this copy changes nothing except your own understanding.
"""

import jax, jax.numpy as jnp
import numpy as np

S = 20000
N = 50001
FEAT = 256
LABEL = 64
HIDW = 128
IN_DIM = 3 * LABEL + 2 * FEAT + 1
TAU = 1.0
BUDGET = 64


def setup_inputs(seed: int = 0) -> dict:
    key = jax.random.key(seed)
    ks = jax.random.split(key, 12)
    inp = {}
    inp["budget"] = BUDGET
    inp["target"] = jax.random.randint(ks[0], (1,), 0, N - 1)
    inp["sub_graph_nodes"] = jax.random.randint(ks[1], (S,), 0, N - 1)
    inp["new_feat"] = jax.random.normal(ks[2], (N, FEAT), dtype=jnp.float32)
    inp["adj_tensor"] = jax.random.uniform(ks[3], (S, 1), dtype=jnp.float32)
    inp["wlabel"] = jax.random.normal(ks[4], (1, FEAT), dtype=jnp.float32)
    inp["wsec"] = jax.random.normal(ks[5], (1, FEAT), dtype=jnp.float32)
    inp["weight1"] = jax.random.normal(ks[6], (FEAT, HIDW), dtype=jnp.float32) * (1.0 / np.sqrt(FEAT))
    inp["weight2"] = jax.random.normal(ks[7], (HIDW, LABEL), dtype=jnp.float32) * (1.0 / np.sqrt(HIDW))
    inp["l1_w"] = jax.random.normal(ks[8], (512, IN_DIM), dtype=jnp.float32) * np.sqrt(2.0 / IN_DIM)
    inp["l1_b"] = jnp.zeros((512,), dtype=jnp.float32)
    inp["l2_w"] = jax.random.normal(ks[9], (32, 512), dtype=jnp.float32) * np.sqrt(2.0 / 512)
    inp["l2_b"] = jnp.zeros((32,), dtype=jnp.float32)
    inp["l3_w"] = jax.random.normal(ks[10], (1, 32), dtype=jnp.float32) * np.sqrt(2.0 / 32)
    inp["l3_b"] = jnp.zeros((1,), dtype=jnp.float32)
    return inp


def _mlp(x, l1_w, l1_b, l2_w, l2_b, l3_w, l3_b):
    h = jax.nn.leaky_relu(x @ l1_w.T + l1_b, negative_slope=0.01)
    h = jax.nn.leaky_relu(h @ l2_w.T + l2_b, negative_slope=0.01)
    return h @ l3_w.T + l3_b


def reference(budget, target, sub_graph_nodes, new_feat, adj_tensor, wlabel, wsec,
              weight1, weight2, l1_w, l1_b, l2_w, l2_b, l3_w, l3_b):
    Srows = sub_graph_nodes.shape[0]
    sub_xw = (jnp.take(new_feat, sub_graph_nodes, axis=0) @ weight1) @ weight2
    tar_xw = (jnp.take(new_feat, target, axis=0) @ weight1) @ weight2
    add_xw = (new_feat[-1:, :] @ weight1) @ weight2
    concat = jnp.concatenate([
        jnp.tile(tar_xw, (Srows, 1)),
        sub_xw,
        jnp.tile(add_xw, (Srows, 1)),
        adj_tensor,
        jnp.tile(wlabel, (Srows, 1)),
        jnp.tile(wsec, (Srows, 1)),
    ], axis=1)
    score = _mlp(concat, l1_w, l1_b, l2_w, l2_b, l3_w, l3_b)  # [S, 1]
    score = jnp.transpose(score, (1, 0))[0]  # [S]
    score = score + jnp.asarray(budget, score.dtype) * 0.0
    # gumbel_topk with train_flag=False: softmax(logits / (0.01 * tau))
    mask = jnp.zeros_like(score)
    discrete = jnp.zeros_like(score)
    tmp = jax.nn.softmax((score - mask) / (0.01 * TAU), axis=-1)
    discrete = discrete + tmp

    def body(i, carry):
        mask, discrete, tmp = carry
        idx = jnp.argmax(tmp, axis=0)
        mask = mask.at[idx].set(9999.0)
        tmp = jax.nn.softmax((score - mask) / (0.01 * TAU), axis=-1)
        discrete = discrete + tmp
        return (mask, discrete, tmp)

    mask, discrete, tmp = jax.lax.fori_loop(0, BUDGET - 1, body, (mask, discrete, tmp))
    score_idx = sub_graph_nodes[None, :]
    return (discrete, score_idx)

if __name__ == "__main__":
    import jax
    _d = setup_inputs()
    print(jax.jit(kernel)(*tuple(_d.values())))

</pallas_src>

<mosaic_0001>
#map = affine_map<(d0, d1) -> (0, 0, 0)>
#map1 = affine_map<(d0, d1) -> (0, 0)>
module attributes {stable_mosaic.version = 14 : i64} {
  func.func @gather(%arg0: i32, %arg1: i32, %arg2: memref<32x4x80xi32, #tpu.memory_space<hbm>>, %arg3: memref<50001x256xf32, #tpu.memory_space<hbm>>, %arg4: memref<10240x256xf32, #tpu.memory_space<hbm>>, %arg5: memref<4x80xi32, #tpu.memory_space<vmem>>, %arg6: memref<2x80x256xf32, #tpu.memory_space<vmem>>, %arg7: memref<!tpu.dma_semaphore, #tpu.memory_space<semaphore_mem>>, %arg8: memref<!tpu.dma_semaphore, #tpu.memory_space<semaphore_mem>>) attributes {dimension_semantics = [#tpu.dimension_semantics<core_parallel>, #tpu.dimension_semantics<subcore_parallel>], iteration_bounds = array<i64: 2, 16>, scalar_prefetch = 0 : i64, scratch_operands = 4 : i64, tpu.core_type = #tpu.core_type<sc_vector_subcore>, window_params = [{transform_indices = #map}, {transform_indices = #map1}, {transform_indices = #map1}]} {
    %mul3A = arith.constant 2 : i32
    %mul3A_0 = arith.muli %arg1, %mul3A : i32
    %add3A = arith.addi %mul3A_0, %arg0 : i32
    %mul3A_1 = arith.constant 320 : i32
    %mul3A_2 = arith.muli %add3A, %mul3A_1 : i32
    "tpu.region"() ({
      %run_scoped3A_108 = tpu.sem_alloc : memref<!tpu.dma_semaphore, #tpu.memory_space<semaphore_mem>>
      %dma_start3A_109 = arith.constant 0 : i32
      %dma_start3A_110 = arith.constant 0 : i32
      %dma_start3A_111 = tpu.memref_slice %arg2[%add3A, %dma_start3A_109, %dma_start3A_110] : memref<32x4x80xi32, #tpu.memory_space<hbm>> -> memref<1x4x80xi32, #tpu.memory_space<hbm>>
      %dma_start3A_112 = tpu.memref_squeeze %dma_start3A_111 : memref<1x4x80xi32, #tpu.memory_space<hbm>> -> memref<4x80xi32, #tpu.memory_space<hbm>>
      %dma_start3A_113 = arith.constant 0 : i32
      %dma_start3A_114 = arith.constant 0 : i32
      %dma_start3A_115 = tpu.memref_slice %arg2[%add3A, %dma_start3A_113, %dma_start3A_114] : memref<32x4x80xi32, #tpu.memory_space<hbm>> -> memref<1x4x80xi32, #tpu.memory_space<hbm>>
      %dma_start3A_116 = tpu.memref_squeeze %dma_start3A_115 : memref<1x4x80xi32, #tpu.memory_space<hbm>> -> memref<4x80xi32, #tpu.memory_space<hbm>>
      tpu.enqueue_dma source(%dma_start3A_116 : memref<4x80xi32, #tpu.memory_space<hbm>>) target(%arg5 : memref<4x80xi32, #tpu.memory_space<vmem>>) target_semaphore(%run_scoped3A_108 : memref<!tpu.dma_semaphore, #tpu.memory_space<semaphore_mem>>)
      %dma_wait3A_117 = arith.constant 0 : i32
      %dma_wait3A_118 = arith.constant 0 : i32
      %dma_wait3A_119 = tpu.memref_slice %arg2[%add3A, %dma_wait3A_117, %dma_wait3A_118] : memref<32x4x80xi32, #tpu.memory_space<hbm>> -> memref<1x4x80xi32, #tpu.memory_space<hbm>>
      %dma_wait3A_120 = tpu.memref_squeeze %dma_wait3A_119 : memref<1x4x80xi32, #tpu.memory_space<hbm>> -> memref<4x80xi32, #tpu.memory_space<hbm>>
      %dma_wait3A_121 = arith.constant 0 : i32
      %dma_wait3A_122 = arith.constant 0 : i32
      %dma_wait3A_123 = tpu.memref_slice %arg2[%add3A, %dma_wait3A_121, %dma_wait3A_122] : memref<32x4x80xi32, #tpu.memory_space<hbm>> -> memref<1x4x80xi32, #tpu.memory_space<hbm>>
      %dma_wait3A_124 = tpu.memref_squeeze %dma_wait3A_123 : memref<1x4x80xi32, #tpu.memory_space<hbm>> -> memref<4x80xi32, #tpu.memory_space<hbm>>
      tpu.wait_dma2 semaphore(%run_scoped3A_108 : memref<!tpu.dma_semaphore, #tpu.memory_space<semaphore_mem>>) src(%dma_wait3A_124 : memref<4x80xi32, #tpu.memory_space<hbm>>) dst(%arg5 : memref<4x80xi32, #tpu.memory_space<vmem>>)
      tpu.yield
    }) : () -> ()
    %dma_start3A = arith.constant 0 : i32
    %dma_start3A_3 = arith.constant 0 : i32
    %dma_start3A_4 = arith.constant 0 : i32
    %dma_start3A_5 = arith.constant 0 : i32
    %dma_start3A_6 = tpu.memref_slice %arg6[%dma_start3A_3, %dma_start3A_4, %dma_start3A_5] : memref<2x80x256xf32, #tpu.memory_space<vmem>> -> memref<1x80x256xf32, #tpu.memory_space<vmem>>
    %dma_start3A_7 = tpu.memref_squeeze %dma_start3A_6 : memref<1x80x256xf32, #tpu.memory_space<vmem>> -> memref<80x256xf32, #tpu.memory_space<vmem>>
    %dma_start3A_8 = arith.constant 0 : i32
    %dma_start3A_9 = tpu.memref_slice %arg5[%dma_start3A, %dma_start3A_8] : memref<4x80xi32, #tpu.memory_space<vmem>> -> memref<1x80xi32, #tpu.memory_space<vmem>>
    %dma_start3A_10 = tpu.memref_squeeze %dma_start3A_9 : memref<1x80xi32, #tpu.memory_space<vmem>> -> memref<80xi32, #tpu.memory_space<vmem>>
    %dma_start3A_11 = arith.constant 0 : i32
    %dma_start3A_12 = arith.constant 0 : i32
    %dma_start3A_13 = tpu.memref_slice %arg3[%dma_start3A_11, %dma_start3A_12] : memref<50001x256xf32, #tpu.memory_space<hbm>> -> memref<50001x256xf32, #tpu.memory_space<hbm>>
    tpu.enqueue_indirect_dma source(%dma_start3A_13 : memref<50001x256xf32, #tpu.memory_space<hbm>>) target(%dma_start3A_7 : memref<80x256xf32, #tpu.memory_space<vmem>>) offsets(%dma_start3A_10 : memref<80xi32, #tpu.memory_space<vmem>>) semaphore(%arg7 : memref<!tpu.dma_semaphore, #tpu.memory_space<semaphore_mem>>)
    %dma_start3A_14 = arith.constant 1 : i32
    %dma_start3A_15 = arith.constant 1 : i32
    %dma_start3A_16 = arith.constant 0 : i32
    %dma_start3A_17 = arith.constant 0 : i32
    %dma_start3A_18 = tpu.memref_slice %arg6[%dma_start3A_15, %dma_start3A_16, %dma_start3A_17] : memref<2x80x256xf32, #tpu.memory_space<vmem>> -> memref<1x80x256xf32, #tpu.memory_space<vmem>>
    %dma_start3A_19 = tpu.memref_squeeze %dma_start3A_18 : memref<1x80x256xf32, #tpu.memory_space<vmem>> -> memref<80x256xf32, #tpu.memory_space<vmem>>
    %dma_start3A_20 = arith.constant 0 : i32
    %dma_start3A_21 = tpu.memref_slice %arg5[%dma_start3A_14, %dma_start3A_20] : memref<4x80xi32, #tpu.memory_space<vmem>> -> memref<1x80xi32, #tpu.memory_space<vmem>>
    %dma_start3A_22 = tpu.memref_squeeze %dma_start3A_21 : memref<1x80xi32, #tpu.memory_space<vmem>> -> memref<80xi32, #tpu.memory_space<vmem>>
    %dma_start3A_23 = arith.constant 0 : i32
    %dma_start3A_24 = arith.constant 0 : i32
    %dma_start3A_25 = tpu.memref_slice %arg3[%dma_start3A_23, %dma_start3A_24] : memref<50001x256xf32, #tpu.memory_space<hbm>> -> memref<50001x256xf32, #tpu.memory_space<hbm>>
    tpu.enqueue_indirect_dma source(%dma_start3A_25 : memref<50001x256xf32, #tpu.memory_space<hbm>>) target(%dma_start3A_19 : memref<80x256xf32, #tpu.memory_space<vmem>>) offsets(%dma_start3A_22 : memref<80xi32, #tpu.memory_space<vmem>>) semaphore(%arg8 : memref<!tpu.dma_semaphore, #tpu.memory_space<semaphore_mem>>)
    %dma_wait3A = arith.constant 0 : i32
    %dma_wait3A_26 = arith.constant 0 : i32
    %dma_wait3A_27 = arith.constant 0 : i32
    %dma_wait3A_28 = arith.constant 0 : i32
    %dma_wait3A_29 = tpu.memref_slice %arg6[%dma_wait3A_26, %dma_wait3A_27, %dma_wait3A_28] : memref<2x80x256xf32, #tpu.memory_space<vmem>> -> memref<1x80x256xf32, #tpu.memory_space<vmem>>
    %dma_wait3A_30 = tpu.memref_squeeze %dma_wait3A_29 : memref<1x80x256xf32, #tpu.memory_space<vmem>> -> memref<80x256xf32, #tpu.memory_space<vmem>>
    %dma_wait3A_31 = arith.constant 0 : i32
    %dma_wait3A_32 = tpu.memref_slice %arg5[%dma_wait3A, %dma_wait3A_31] : memref<4x80xi32, #tpu.memory_space<vmem>> -> memref<1x80xi32, #tpu.memory_space<vmem>>
    %dma_wait3A_33 = tpu.memref_squeeze %dma_wait3A_32 : memref<1x80xi32, #tpu.memory_space<vmem>> -> memref<80xi32, #tpu.memory_space<vmem>>
    %dma_wait3A_34 = arith.constant 0 : i32
    %dma_wait3A_35 = arith.constant 0 : i32
    %dma_wait3A_36 = tpu.memref_slice %arg3[%dma_wait3A_34, %dma_wait3A_35] : memref<50001x256xf32, #tpu.memory_space<hbm>> -> memref<50001x256xf32, #tpu.memory_space<hbm>>
    tpu.wait_indirect_dma semaphore(%arg7 : memref<!tpu.dma_semaphore, #tpu.memory_space<semaphore_mem>>) src(%dma_wait3A_36 : memref<50001x256xf32, #tpu.memory_space<hbm>>) dst(%dma_wait3A_30 : memref<80x256xf32, #tpu.memory_space<vmem>>)
    %add3A_37 = arith.constant 0 : i32
    %add3A_38 = arith.addi %mul3A_2, %add3A_37 : i32
    %run_scoped3A = arith.constant 0 : i32
    "tpu.region"() ({
      %run_scoped3A_108 = tpu.sem_alloc : memref<!tpu.dma_semaphore, #tpu.memory_space<semaphore_mem>>
      %dma_start3A_109 = arith.constant 0 : i32
      %dma_start3A_110 = arith.constant 0 : i32
      %dma_start3A_111 = tpu.memref_slice %arg6[%run_scoped3A, %dma_start3A_109, %dma_start3A_110] : memref<2x80x256xf32, #tpu.memory_space<vmem>> -> memref<1x80x256xf32, #tpu.memory_space<vmem>>
      %dma_start3A_112 = tpu.memref_squeeze %dma_start3A_111 : memref<1x80x256xf32, #tpu.memory_space<vmem>> -> memref<80x256xf32, #tpu.memory_space<vmem>>
      %dma_start3A_113 = arith.constant 0 : i32
      %dma_start3A_114 = tpu.memref_slice %arg4[%add3A_38, %dma_start3A_113] : memref<10240x256xf32, #tpu.memory_space<hbm>> -> memref<80x256xf32, #tpu.memory_space<hbm>>
      %dma_start3A_115 = arith.constant 0 : i32
      %dma_start3A_116 = tpu.memref_slice %arg4[%add3A_38, %dma_start3A_115] : memref<10240x256xf32, #tpu.memory_space<hbm>> -> memref<80x256xf32, #tpu.memory_space<hbm>>
      %dma_start3A_117 = arith.constant 0 : i32
      %dma_start3A_118 = arith.constant 0 : i32
      %dma_start3A_119 = tpu.memref_slice %arg6[%run_scoped3A, %dma_start3A_117, %dma_start3A_118] : memref<2x80x256xf32, #tpu.memory_space<vmem>> -> memref<1x80x256xf32, #tpu.memory_space<vmem>>
      %dma_start3A_120 = tpu.memref_squeeze %dma_start3A_119 : memref<1x80x256xf32, #tpu.memory_space<vmem>> -> memref<80x256xf32, #tpu.memory_space<vmem>>
      tpu.enqueue_dma source(%dma_start3A_120 : memref<80x256xf32, #tpu.memory_space<vmem>>) target(%dma_start3A_116 : memref<80x256xf32, #tpu.memory_space<hbm>>) target_semaphore(%run_scoped3A_108 : memref<!tpu.dma_semaphore, #tpu.memory_space<semaphore_mem>>)
      %dma_wait3A_121 = arith.constant 0 : i32
      %dma_wait3A_122 = arith.constant 0 : i32
      %dma_wait3A_123 = tpu.memref_slice %arg6[%run_scoped3A, %dma_wait3A_121, %dma_wait3A_122] : memref<2x80x256xf32, #tpu.memory_space<vmem>> -> memref<1x80x256xf32, #tpu.memory_space<vmem>>
      %dma_wait3A_124 = tpu.memref_squeeze %dma_wait3A_123 : memref<1x80x256xf32, #tpu.memory_space<vmem>> -> memref<80x256xf32, #tpu.memory_space<vmem>>
      %dma_wait3A_125 = arith.constant 0 : i32
      %dma_wait3A_126 = tpu.memref_slice %arg4[%add3A_38, %dma_wait3A_125] : memref<10240x256xf32, #tpu.memory_space<hbm>> -> memref<80x256xf32, #tpu.memory_space<hbm>>
      %dma_wait3A_127 = arith.constant 0 : i32
      %dma_wait3A_128 = tpu.memref_slice %arg4[%add3A_38, %dma_wait3A_127] : memref<10240x256xf32, #tpu.memory_space<hbm>> -> memref<80x256xf32, #tpu.memory_space<hbm>>
      %dma_wait3A_129 = arith.constant 0 : i32
      %dma_wait3A_130 = arith.constant 0 : i32
      %dma_wait3A_131 = tpu.memref_slice %arg6[%run_scoped3A, %dma_wait3A_129, %dma_wait3A_130] : memref<2x80x256xf32, #tpu.memory_space<vmem>> -> memref<1x80x256xf32, #tpu.memory_space<vmem>>
      %dma_wait3A_132 = tpu.memref_squeeze %dma_wait3A_131 : memref<1x80x256xf32, #tpu.memory_space<vmem>> -> memref<80x256xf32, #tpu.memory_space<vmem>>
      tpu.wait_dma2 semaphore(%run_scoped3A_108 : memref<!tpu.dma_semaphore, #tpu.memory_space<semaphore_mem>>) src(%dma_wait3A_132 : memref<80x256xf32, #tpu.memory_space<vmem>>) dst(%dma_wait3A_128 : memref<80x256xf32, #tpu.memory_space<hbm>>)
      tpu.yield
    }) : () -> ()
    %dma_start3A_39 = arith.constant 2 : i32
    %dma_start3A_40 = arith.constant 0 : i32
    %dma_start3A_41 = arith.constant 0 : i32
    %dma_start3A_42 = arith.constant 0 : i32
    %dma_start3A_43 = tpu.memref_slice %arg6[%dma_start3A_40, %dma_start3A_41, %dma_start3A_42] : memref<2x80x256xf32, #tpu.memory_space<vmem>> -> memref<1x80x256xf32, #tpu.memory_space<vmem>>
    %dma_start3A_44 = tpu.memref_squeeze %dma_start3A_43 : memref<1x80x256xf32, #tpu.memory_space<vmem>> -> memref<80x256xf32, #tpu.memory_space<vmem>>
    %dma_start3A_45 = arith.constant 0 : i32
    %dma_start3A_46 = tpu.memref_slice %arg5[%dma_start3A_39, %dma_start3A_45] : memref<4x80xi32, #tpu.memory_space<vmem>> -> memref<1x80xi32, #tpu.memory_space<vmem>>
    %dma_start3A_47 = tpu.memref_squeeze %dma_start3A_46 : memref<1x80xi32, #tpu.memory_space<vmem>> -> memref<80xi32, #tpu.memory_space<vmem>>
    %dma_start3A_48 = arith.constant 0 : i32
    %dma_start3A_49 = arith.constant 0 : i32
    %dma_start3A_50 = tpu.memref_slice %arg3[%dma_start3A_48, %dma_start3A_49] : memref<50001x256xf32, #tpu.memory_space<hbm>> -> memref<50001x256xf32, #tpu.memory_space<hbm>>
    tpu.enqueue_indirect_dma source(%dma_start3A_50 : memref<50001x256xf32, #tpu.memory_space<hbm>>) target(%dma_start3A_44 : memref<80x256xf32, #tpu.memory_space<vmem>>) offsets(%dma_start3A_47 : memref<80xi32, #tpu.memory_space<vmem>>) semaphore(%arg7 : memref<!tpu.dma_semaphore, #tpu.memory_space<semaphore_mem>>)
    %dma_wait3A_51 = arith.constant 1 : i32
    %dma_wait3A_52 = arith.constant 1 : i32
    %dma_wait3A_53 = arith.constant 0 : i32
    %dma_wait3A_54 = arith.constant 0 : i32
    %dma_wait3A_55 = tpu.memref_slice %arg6[%dma_wait3A_52, %dma_wait3A_53, %dma_wait3A_54] : memref<2x80x256xf32, #tpu.memory_space<vmem>> -> memref<1x80x256xf32, #tpu.memory_space<vmem>>
    %dma_wait3A_56 = tpu.memref_squeeze %dma_wait3A_55 : memref<1x80x256xf32, #tpu.memory_space<vmem>> -> memref<80x256xf32, #tpu.memory_space<vmem>>
    %dma_wait3A_57 = arith.constant 0 : i32
    %dma_wait3A_58 = tpu.memref_slice %arg5[%dma_wait3A_51, %dma_wait3A_57] : memref<4x80xi32, #tpu.memory_space<vmem>> -> memref<1x80xi32, #tpu.memory_space<vmem>>
    %dma_wait3A_59 = tpu.memref_squeeze %dma_wait3A_58 : memref<1x80xi32, #tpu.memory_space<vmem>> -> memref<80xi32, #tpu.memory_space<vmem>>
    %dma_wait3A_60 = arith.constant 0 : i32
    %dma_wait3A_61 = arith.constant 0 : i32
    %dma_wait3A_62 = tpu.memref_slice %arg3[%dma_wait3A_60, %dma_wait3A_61] : memref<50001x256xf32, #tpu.memory_space<hbm>> -> memref<50001x256xf32, #tpu.memory_space<hbm>>
    tpu.wait_indirect_dma semaphore(%arg8 : memref<!tpu.dma_semaphore, #tpu.memory_space<semaphore_mem>>) src(%dma_wait3A_62 : memref<50001x256xf32, #tpu.memory_space<hbm>>) dst(%dma_wait3A_56 : memref<80x256xf32, #tpu.memory_space<vmem>>)
    %add3A_63 = arith.constant 80 : i32
    %add3A_64 = arith.addi %mul3A_2, %add3A_63 : i32
    %run_scoped3A_65 = arith.constant 1 : i32
    "tpu.region"() ({
      %run_scoped3A_108 = tpu.sem_alloc : memref<!tpu.dma_semaphore, #tpu.memory_space<semaphore_mem>>
      %dma_start3A_109 = arith.constant 0 : i32
      %dma_start3A_110 = arith.constant 0 : i32
      %dma_start3A_111 = tpu.memref_slice %arg6[%run_scoped3A_65, %dma_start3A_109, %dma_start3A_110] : memref<2x80x256xf32, #tpu.memory_space<vmem>> -> memref<1x80x256xf32, #tpu.memory_space<vmem>>
      %dma_start3A_112 = tpu.memref_squeeze %dma_start3A_111 : memref<1x80x256xf32, #tpu.memory_space<vmem>> -> memref<80x256xf32, #tpu.memory_space<vmem>>
      %dma_start3A_113 = arith.constant 0 : i32
      %dma_start3A_114 = tpu.memref_slice %arg4[%add3A_64, %dma_start3A_113] : memref<10240x256xf32, #tpu.memory_space<hbm>> -> memref<80x256xf32, #tpu.memory_space<hbm>>
      %dma_start3A_115 = arith.constant 0 : i32
      %dma_start3A_116 = tpu.memref_slice %arg4[%add3A_64, %dma_start3A_115] : memref<10240x256xf32, #tpu.memory_space<hbm>> -> memref<80x256xf32, #tpu.memory_space<hbm>>
      %dma_start3A_117 = arith.constant 0 : i32
      %dma_start3A_118 = arith.constant 0 : i32
      %dma_start3A_119 = tpu.memref_slice %arg6[%run_scoped3A_65, %dma_start3A_117, %dma_start3A_118] : memref<2x80x256xf32, #tpu.memory_space<vmem>> -> memref<1x80x256xf32, #tpu.memory_space<vmem>>
      %dma_start3A_120 = tpu.memref_squeeze %dma_start3A_119 : memref<1x80x256xf32, #tpu.memory_space<vmem>> -> memref<80x256xf32, #tpu.memory_space<vmem>>
      tpu.enqueue_dma source(%dma_start3A_120 : memref<80x256xf32, #tpu.memory_space<vmem>>) target(%dma_start3A_116 : memref<80x256xf32, #tpu.memory_space<hbm>>) target_semaphore(%run_scoped3A_108 : memref<!tpu.dma_semaphore, #tpu.memory_space<semaphore_mem>>)
      %dma_wait3A_121 = arith.constant 0 : i32
      %dma_wait3A_122 = arith.constant 0 : i32
      %dma_wait3A_123 = tpu.memref_slice %arg6[%run_scoped3A_65, %dma_wait3A_121, %dma_wait3A_122] : memref<2x80x256xf32, #tpu.memory_space<vmem>> -> memref<1x80x256xf32, #tpu.memory_space<vmem>>
      %dma_wait3A_124 = tpu.memref_squeeze %dma_wait3A_123 : memref<1x80x256xf32, #tpu.memory_space<vmem>> -> memref<80x256xf32, #tpu.memory_space<vmem>>
      %dma_wait3A_125 = arith.constant 0 : i32
      %dma_wait3A_126 = tpu.memref_slice %arg4[%add3A_64, %dma_wait3A_125] : memref<10240x256xf32, #tpu.memory_space<hbm>> -> memref<80x256xf32, #tpu.memory_space<hbm>>
      %dma_wait3A_127 = arith.constant 0 : i32
      %dma_wait3A_128 = tpu.memref_slice %arg4[%add3A_64, %dma_wait3A_127] : memref<10240x256xf32, #tpu.memory_space<hbm>> -> memref<80x256xf32, #tpu.memory_space<hbm>>
      %dma_wait3A_129 = arith.constant 0 : i32
      %dma_wait3A_130 = arith.constant 0 : i32
      %dma_wait3A_131 = tpu.memref_slice %arg6[%run_scoped3A_65, %dma_wait3A_129, %dma_wait3A_130] : memref<2x80x256xf32, #tpu.memory_space<vmem>> -> memref<1x80x256xf32, #tpu.memory_space<vmem>>
      %dma_wait3A_132 = tpu.memref_squeeze %dma_wait3A_131 : memref<1x80x256xf32, #tpu.memory_space<vmem>> -> memref<80x256xf32, #tpu.memory_space<vmem>>
      tpu.wait_dma2 semaphore(%run_scoped3A_108 : memref<!tpu.dma_semaphore, #tpu.memory_space<semaphore_mem>>) src(%dma_wait3A_132 : memref<80x256xf32, #tpu.memory_space<vmem>>) dst(%dma_wait3A_128 : memref<80x256xf32, #tpu.memory_space<hbm>>)
      tpu.yield
    }) : () -> ()
    %dma_start3A_66 = arith.constant 3 : i32
    %dma_start3A_67 = arith.constant 1 : i32
    %dma_start3A_68 = arith.constant 0 : i32
    %dma_start3A_69 = arith.constant 0 : i32
    %dma_start3A_70 = tpu.memref_slice %arg6[%dma_start3A_67, %dma_start3A_68, %dma_start3A_69] : memref<2x80x256xf32, #tpu.memory_space<vmem>> -> memref<1x80x256xf32, #tpu.memory_space<vmem>>
    %dma_start3A_71 = tpu.memref_squeeze %dma_start3A_70 : memref<1x80x256xf32, #tpu.memory_space<vmem>> -> memref<80x256xf32, #tpu.memory_space<vmem>>
    %dma_start3A_72 = arith.constant 0 : i32
    %dma_start3A_73 = tpu.memref_slice %arg5[%dma_start3A_66, %dma_start3A_72] : memref<4x80xi32, #tpu.memory_space<vmem>> -> memref<1x80xi32, #tpu.memory_space<vmem>>
    %dma_start3A_74 = tpu.memref_squeeze %dma_start3A_73 : memref<1x80xi32, #tpu.memory_space<vmem>> -> memref<80xi32, #tpu.memory_space<vmem>>
    %dma_start3A_75 = arith.constant 0 : i32
    %dma_start3A_76 = arith.constant 0 : i32
    %dma_start3A_77 = tpu.memref_slice %arg3[%dma_start3A_75, %dma_start3A_76] : memref<50001x256xf32, #tpu.memory_space<hbm>> -> memref<50001x256xf32, #tpu.memory_space<hbm>>
    tpu.enqueue_indirect_dma source(%dma_start3A_77 : memref<50001x256xf32, #tpu.memory_space<hbm>>) target(%dma_start3A_71 : memref<80x256xf32, #tpu.memory_space<vmem>>) offsets(%dma_start3A_74 : memref<80xi32, #tpu.memory_space<vmem>>) semaphore(%arg8 : memref<!tpu.dma_semaphore, #tpu.memory_space<semaphore_mem>>)
    %dma_wait3A_78 = arith.constant 2 : i32
    %dma_wait3A_79 = arith.constant 0 : i32
    %dma_wait3A_80 = arith.constant 0 : i32
    %dma_wait3A_81 = arith.constant 0 : i32
    %dma_wait3A_82 = tpu.memref_slice %arg6[%dma_wait3A_79, %dma_wait3A_80, %dma_wait3A_81] : memref<2x80x256xf32, #tpu.memory_space<vmem>> -> memref<1x80x256xf32, #tpu.memory_space<vmem>>
    %dma_wait3A_83 = tpu.memref_squeeze %dma_wait3A_82 : memref<1x80x256xf32, #tpu.memory_space<vmem>> -> memref<80x256xf32, #tpu.memory_space<vmem>>
    %dma_wait3A_84 = arith.constant 0 : i32
    %dma_wait3A_85 = tpu.memref_slice %arg5[%dma_wait3A_78, %dma_wait3A_84] : memref<4x80xi32, #tpu.memory_space<vmem>> -> memref<1x80xi32, #tpu.memory_space<vmem>>
    %dma_wait3A_86 = tpu.memref_squeeze %dma_wait3A_85 : memref<1x80xi32, #tpu.memory_space<vmem>> -> memref<80xi32, #tpu.memory_space<vmem>>
    %dma_wait3A_87 = arith.constant 0 : i32
    %dma_wait3A_88 = arith.constant 0 : i32
    %dma_wait3A_89 = tpu.memref_slice %arg3[%dma_wait3A_87, %dma_wait3A_88] : memref<50001x256xf32, #tpu.memory_space<hbm>> -> memref<50001x256xf32, #tpu.memory_space<hbm>>
    tpu.wait_indirect_dma semaphore(%arg7 : memref<!tpu.dma_semaphore, #tpu.memory_space<semaphore_mem>>) src(%dma_wait3A_89 : memref<50001x256xf32, #tpu.memory_space<hbm>>) dst(%dma_wait3A_83 : memref<80x256xf32, #tpu.memory_space<vmem>>)
    %add3A_90 = arith.constant 160 : i32
    %add3A_91 = arith.addi %mul3A_2, %add3A_90 : i32
    %run_scoped3A_92 = arith.constant 0 : i32
    "tpu.region"() ({
      %run_scoped3A_108 = tpu.sem_alloc : memref<!tpu.dma_semaphore, #tpu.memory_space<semaphore_mem>>
      %dma_start3A_109 = arith.constant 0 : i32
      %dma_start3A_110 = arith.constant 0 : i32
      %dma_start3A_111 = tpu.memref_slice %arg6[%run_scoped3A_92, %dma_start3A_109, %dma_start3A_110] : memref<2x80x256xf32, #tpu.memory_space<vmem>> -> memref<1x80x256xf32, #tpu.memory_space<vmem>>
      %dma_start3A_112 = tpu.memref_squeeze %dma_start3A_111 : memref<1x80x256xf32, #tpu.memory_space<vmem>> -> memref<80x256xf32, #tpu.memory_space<vmem>>
      %dma_start3A_113 = arith.constant 0 : i32
      %dma_start3A_114 = tpu.memref_slice %arg4[%add3A_91, %dma_start3A_113] : memref<10240x256xf32, #tpu.memory_space<hbm>> -> memref<80x256xf32, #tpu.memory_space<hbm>>
      %dma_start3A_115 = arith.constant 0 : i32
      %dma_start3A_116 = tpu.memref_slice %arg4[%add3A_91, %dma_start3A_115] : memref<10240x256xf32, #tpu.memory_space<hbm>> -> memref<80x256xf32, #tpu.memory_space<hbm>>
      %dma_start3A_117 = arith.constant 0 : i32
      %dma_start3A_118 = arith.constant 0 : i32
      %dma_start3A_119 = tpu.memref_slice %arg6[%run_scoped3A_92, %dma_start3A_117, %dma_start3A_118] : memref<2x80x256xf32, #tpu.memory_space<vmem>> -> memref<1x80x256xf32, #tpu.memory_space<vmem>>
      %dma_start3A_120 = tpu.memref_squeeze %dma_start3A_119 : memref<1x80x256xf32, #tpu.memory_space<vmem>> -> memref<80x256xf32, #tpu.memory_space<vmem>>
      tpu.enqueue_dma source(%dma_start3A_120 : memref<80x256xf32, #tpu.memory_space<vmem>>) target(%dma_start3A_116 : memref<80x256xf32, #tpu.memory_space<hbm>>) target_semaphore(%run_scoped3A_108 : memref<!tpu.dma_semaphore, #tpu.memory_space<semaphore_mem>>)
      %dma_wait3A_121 = arith.constant 0 : i32
      %dma_wait3A_122 = arith.constant 0 : i32
      %dma_wait3A_123 = tpu.memref_slice %arg6[%run_scoped3A_92, %dma_wait3A_121, %dma_wait3A_122] : memref<2x80x256xf32, #tpu.memory_space<vmem>> -> memref<1x80x256xf32, #tpu.memory_space<vmem>>
      %dma_wait3A_124 = tpu.memref_squeeze %dma_wait3A_123 : memref<1x80x256xf32, #tpu.memory_space<vmem>> -> memref<80x256xf32, #tpu.memory_space<vmem>>
      %dma_wait3A_125 = arith.constant 0 : i32
      %dma_wait3A_126 = tpu.memref_slice %arg4[%add3A_91, %dma_wait3A_125] : memref<10240x256xf32, #tpu.memory_space<hbm>> -> memref<80x256xf32, #tpu.memory_space<hbm>>
      %dma_wait3A_127 = arith.constant 0 : i32
      %dma_wait3A_128 = tpu.memref_slice %arg4[%add3A_91, %dma_wait3A_127] : memref<10240x256xf32, #tpu.memory_space<hbm>> -> memref<80x256xf32, #tpu.memory_space<hbm>>
      %dma_wait3A_129 = arith.constant 0 : i32
      %dma_wait3A_130 = arith.constant 0 : i32
      %dma_wait3A_131 = tpu.memref_slice %arg6[%run_scoped3A_92, %dma_wait3A_129, %dma_wait3A_130] : memref<2x80x256xf32, #tpu.memory_space<vmem>> -> memref<1x80x256xf32, #tpu.memory_space<vmem>>
      %dma_wait3A_132 = tpu.memref_squeeze %dma_wait3A_131 : memref<1x80x256xf32, #tpu.memory_space<vmem>> -> memref<80x256xf32, #tpu.memory_space<vmem>>
      tpu.wait_dma2 semaphore(%run_scoped3A_108 : memref<!tpu.dma_semaphore, #tpu.memory_space<semaphore_mem>>) src(%dma_wait3A_132 : memref<80x256xf32, #tpu.memory_space<vmem>>) dst(%dma_wait3A_128 : memref<80x256xf32, #tpu.memory_space<hbm>>)
      tpu.yield
    }) : () -> ()
    %dma_wait3A_93 = arith.constant 3 : i32
    %dma_wait3A_94 = arith.constant 1 : i32
    %dma_wait3A_95 = arith.constant 0 : i32
    %dma_wait3A_96 = arith.constant 0 : i32
    %dma_wait3A_97 = tpu.memref_slice %arg6[%dma_wait3A_94, %dma_wait3A_95, %dma_wait3A_96] : memref<2x80x256xf32, #tpu.memory_space<vmem>> -> memref<1x80x256xf32, #tpu.memory_space<vmem>>
    %dma_wait3A_98 = tpu.memref_squeeze %dma_wait3A_97 : memref<1x80x256xf32, #tpu.memory_space<vmem>> -> memref<80x256xf32, #tpu.memory_space<vmem>>
    %dma_wait3A_99 = arith.constant 0 : i32
    %dma_wait3A_100 = tpu.memref_slice %arg5[%dma_wait3A_93, %dma_wait3A_99] : memref<4x80xi32, #tpu.memory_space<vmem>> -> memref<1x80xi32, #tpu.memory_space<vmem>>
    %dma_wait3A_101 = tpu.memref_squeeze %dma_wait3A_100 : memref<1x80xi32, #tpu.memory_space<vmem>> -> memref<80xi32, #tpu.memory_space<vmem>>
    %dma_wait3A_102 = arith.constant 0 : i32
    %dma_wait3A_103 = arith.constant 0 : i32
    %dma_wait3A_104 = tpu.memref_slice %arg3[%dma_wait3A_102, %dma_wait3A_103] : memref<50001x256xf32, #tpu.memory_space<hbm>> -> memref<50001x256xf32, #tpu.memory_space<hbm>>
    tpu.wait_indirect_dma semaphore(%arg8 : memref<!tpu.dma_semaphore, #tpu.memory_space<semaphore_mem>>) src(%dma_wait3A_104 : memref<50001x256xf32, #tpu.memory_space<hbm>>) dst(%dma_wait3A_98 : memref<80x256xf32, #tpu.memory_space<vmem>>)
    %add3A_105 = arith.constant 240 : i32
    %add3A_106 = arith.addi %mul3A_2, %add3A_105 : i32
    %run_scoped3A_107 = arith.constant 1 : i32
    "tpu.region"() ({
      %run_scoped3A_108 = tpu.sem_alloc : memref<!tpu.dma_semaphore, #tpu.memory_space<semaphore_mem>>
      %dma_start3A_109 = arith.constant 0 : i32
      %dma_start3A_110 = arith.constant 0 : i32
      %dma_start3A_111 = tpu.memref_slice %arg6[%run_scoped3A_107, %dma_start3A_109, %dma_start3A_110] : memref<2x80x256xf32, #tpu.memory_space<vmem>> -> memref<1x80x256xf32, #tpu.memory_space<vmem>>
      %dma_start3A_112 = tpu.memref_squeeze %dma_start3A_111 : memref<1x80x256xf32, #tpu.memory_space<vmem>> -> memref<80x256xf32, #tpu.memory_space<vmem>>
      %dma_start3A_113 = arith.constant 0 : i32
      %dma_start3A_114 = tpu.memref_slice %arg4[%add3A_106, %dma_start3A_113] : memref<10240x256xf32, #tpu.memory_space<hbm>> -> memref<80x256xf32, #tpu.memory_space<hbm>>
      %dma_start3A_115 = arith.constant 0 : i32
      %dma_start3A_116 = tpu.memref_slice %arg4[%add3A_106, %dma_start3A_115] : memref<10240x256xf32, #tpu.memory_space<hbm>> -> memref<80x256xf32, #tpu.memory_space<hbm>>
      %dma_start3A_117 = arith.constant 0 : i32
      %dma_start3A_118 = arith.constant 0 : i32
      %dma_start3A_119 = tpu.memref_slice %arg6[%run_scoped3A_107, %dma_start3A_117, %dma_start3A_118] : memref<2x80x256xf32, #tpu.memory_space<vmem>> -> memref<1x80x256xf32, #tpu.memory_space<vmem>>
      %dma_start3A_120 = tpu.memref_squeeze %dma_start3A_119 : memref<1x80x256xf32, #tpu.memory_space<vmem>> -> memref<80x256xf32, #tpu.memory_space<vmem>>
      tpu.enqueue_dma source(%dma_start3A_120 : memref<80x256xf32, #tpu.memory_space<vmem>>) target(%dma_start3A_116 : memref<80x256xf32, #tpu.memory_space<hbm>>) target_semaphore(%run_scoped3A_108 : memref<!tpu.dma_semaphore, #tpu.memory_space<semaphore_mem>>)
      %dma_wait3A_121 = arith.constant 0 : i32
      %dma_wait3A_122 = arith.constant 0 : i32
      %dma_wait3A_123 = tpu.memref_slice %arg6[%run_scoped3A_107, %dma_wait3A_121, %dma_wait3A_122] : memref<2x80x256xf32, #tpu.memory_space<vmem>> -> memref<1x80x256xf32, #tpu.memory_space<vmem>>
      %dma_wait3A_124 = tpu.memref_squeeze %dma_wait3A_123 : memref<1x80x256xf32, #tpu.memory_space<vmem>> -> memref<80x256xf32, #tpu.memory_space<vmem>>
      %dma_wait3A_125 = arith.constant 0 : i32
      %dma_wait3A_126 = tpu.memref_slice %arg4[%add3A_106, %dma_wait3A_125] : memref<10240x256xf32, #tpu.memory_space<hbm>> -> memref<80x256xf32, #tpu.memory_space<hbm>>
      %dma_wait3A_127 = arith.constant 0 : i32
      %dma_wait3A_128 = tpu.memref_slice %arg4[%add3A_106, %dma_wait3A_127] : memref<10240x256xf32, #tpu.memory_space<hbm>> -> memref<80x256xf32, #tpu.memory_space<hbm>>
      %dma_wait3A_129 = arith.constant 0 : i32
      %dma_wait3A_130 = arith.constant 0 : i32
      %dma_wait3A_131 = tpu.memref_slice %arg6[%run_scoped3A_107, %dma_wait3A_129, %dma_wait3A_130] : memref<2x80x256xf32, #tpu.memory_space<vmem>> -> memref<1x80x256xf32, #tpu.memory_space<vmem>>
      %dma_wait3A_132 = tpu.memref_squeeze %dma_wait3A_131 : memref<1x80x256xf32, #tpu.memory_space<vmem>> -> memref<80x256xf32, #tpu.memory_space<vmem>>
      tpu.wait_dma2 semaphore(%run_scoped3A_108 : memref<!tpu.dma_semaphore, #tpu.memory_space<semaphore_mem>>) src(%dma_wait3A_132 : memref<80x256xf32, #tpu.memory_space<vmem>>) dst(%dma_wait3A_128 : memref<80x256xf32, #tpu.memory_space<hbm>>)
      tpu.yield
    }) : () -> ()
    return
  }
}

#map = affine_map<(d0, d1) -> (0, 0, 0)>
#map1 = affine_map<(d0, d1) -> (0, 0)>
module attributes {stable_mosaic.version = 14 : i64} {
  func.func @gather(%arg0: i32, %arg1: i32, %arg2: memref<32x4x80xi32, #tpu.memory_space<hbm>>, %arg3: memref<50001x256xf32, #tpu.memory_space<hbm>>, %arg4: memref<10240x256xf32, #tpu.memory_space<hbm>>, %arg5: memref<4x80xi32, #tpu.memory_space<vmem>>, %arg6: memref<2x80x256xf32, #tpu.memory_space<vmem>>, %arg7: memref<!tpu.dma_semaphore, #tpu.memory_space<semaphore_mem>>, %arg8: memref<!tpu.dma_semaphore, #tpu.memory_space<semaphore_mem>>) attributes {dimension_semantics = [#tpu.dimension_semantics<core_parallel>, #tpu.dimension_semantics<subcore_parallel>], iteration_bounds = array<i64: 2, 16>, scalar_prefetch = 0 : i64, scratch_operands = 4 : i64, tpu.core_type = #tpu.core_type<sc_vector_subcore>, window_params = [{transform_indices = #map}, {transform_indices = #map1}, {transform_indices = #map1}]} {
    %mul3A = arith.constant 2 : i32
    %mul3A_0 = arith.muli %arg1, %mul3A : i32
    %add3A = arith.addi %mul3A_0, %arg0 : i32
    %mul3A_1 = arith.constant 320 : i32
    %mul3A_2 = arith.muli %add3A, %mul3A_1 : i32
    "tpu.region"() ({
      %run_scoped3A_108 = tpu.sem_alloc : memref<!tpu.dma_semaphore, #tpu.memory_space<semaphore_mem>>
      %dma_start3A_109 = arith.constant 0 : i32
      %dma_start3A_110 = arith.constant 0 : i32
      %dma_start3A_111 = tpu.memref_slice %arg2[%add3A, %dma_start3A_109, %dma_start3A_110] : memref<32x4x80xi32, #tpu.memory_space<hbm>> -> memref<1x4x80xi32, #tpu.memory_space<hbm>>
      %dma_start3A_112 = tpu.memref_squeeze %dma_start3A_111 : memref<1x4x80xi32, #tpu.memory_space<hbm>> -> memref<4x80xi32, #tpu.memory_space<hbm>>
      %dma_start3A_113 = arith.constant 0 : i32
      %dma_start3A_114 = arith.constant 0 : i32
      %dma_start3A_115 = tpu.memref_slice %arg2[%add3A, %dma_start3A_113, %dma_start3A_114] : memref<32x4x80xi32, #tpu.memory_space<hbm>> -> memref<1x4x80xi32, #tpu.memory_space<hbm>>
      %dma_start3A_116 = tpu.memref_squeeze %dma_start3A_115 : memref<1x4x80xi32, #tpu.memory_space<hbm>> -> memref<4x80xi32, #tpu.memory_space<hbm>>
      tpu.enqueue_dma source(%dma_start3A_116 : memref<4x80xi32, #tpu.memory_space<hbm>>) target(%arg5 : memref<4x80xi32, #tpu.memory_space<vmem>>) target_semaphore(%run_scoped3A_108 : memref<!tpu.dma_semaphore, #tpu.memory_space<semaphore_mem>>)
      %dma_wait3A_117 = arith.constant 0 : i32
      %dma_wait3A_118 = arith.constant 0 : i32
      %dma_wait3A_119 = tpu.memref_slice %arg2[%add3A, %dma_wait3A_117, %dma_wait3A_118] : memref<32x4x80xi32, #tpu.memory_space<hbm>> -> memref<1x4x80xi32, #tpu.memory_space<hbm>>
      %dma_wait3A_120 = tpu.memref_squeeze %dma_wait3A_119 : memref<1x4x80xi32, #tpu.memory_space<hbm>> -> memref<4x80xi32, #tpu.memory_space<hbm>>
      %dma_wait3A_121 = arith.constant 0 : i32
      %dma_wait3A_122 = arith.constant 0 : i32
      %dma_wait3A_123 = tpu.memref_slice %arg2[%add3A, %dma_wait3A_121, %dma_wait3A_122] : memref<32x4x80xi32, #tpu.memory_space<hbm>> -> memref<1x4x80xi32, #tpu.memory_space<hbm>>
      %dma_wait3A_124 = tpu.memref_squeeze %dma_wait3A_123 : memref<1x4x80xi32, #tpu.memory_space<hbm>> -> memref<4x80xi32, #tpu.memory_space<hbm>>
      tpu.wait_dma2 semaphore(%run_scoped3A_108 : memref<!tpu.dma_semaphore, #tpu.memory_space<semaphore_mem>>) src(%dma_wait3A_124 : memref<4x80xi32, #tpu.memory_space<hbm>>) dst(%arg5 : memref<4x80xi32, #tpu.memory_space<vmem>>)
      tpu.yield
    }) : () -> ()
    %dma_start3A = arith.constant 0 : i32
    %dma_start3A_3 = arith.constant 0 : i32
    %dma_start3A_4 = arith.constant 0 : i32
    %dma_start3A_5 = arith.constant 0 : i32
    %dma_start3A_6 = tpu.memref_slice %arg6[%dma_start3A_3, %dma_start3A_4, %dma_start3A_5] : memref<2x80x256xf32, #tpu.memory_space<vmem>> -> memref<1x80x256xf32, #tpu.memory_space<vmem>>
    %dma_start3A_7 = tpu.memref_squeeze %dma_start3A_6 : memref<1x80x256xf32, #tpu.memory_space<vmem>> -> memref<80x256xf32, #tpu.memory_space<vmem>>
    %dma_start3A_8 = arith.constant 0 : i32
    %dma_start3A_9 = tpu.memref_slice %arg5[%dma_start3A, %dma_start3A_8] : memref<4x80xi32, #tpu.memory_space<vmem>> -> memref<1x80xi32, #tpu.memory_space<vmem>>
    %dma_start3A_10 = tpu.memref_squeeze %dma_start3A_9 : memref<1x80xi32, #tpu.memory_space<vmem>> -> memref<80xi32, #tpu.memory_space<vmem>>
    %dma_start3A_11 = arith.constant 0 : i32
    %dma_start3A_12 = arith.constant 0 : i32
    %dma_start3A_13 = tpu.memref_slice %arg3[%dma_start3A_11, %dma_start3A_12] : memref<50001x256xf32, #tpu.memory_space<hbm>> -> memref<50001x256xf32, #tpu.memory_space<hbm>>
    tpu.enqueue_indirect_dma source(%dma_start3A_13 : memref<50001x256xf32, #tpu.memory_space<hbm>>) target(%dma_start3A_7 : memref<80x256xf32, #tpu.memory_space<vmem>>) offsets(%dma_start3A_10 : memref<80xi32, #tpu.memory_space<vmem>>) semaphore(%arg7 : memref<!tpu.dma_semaphore, #tpu.memory_space<semaphore_mem>>)
    %dma_start3A_14 = arith.constant 1 : i32
    %dma_start3A_15 = arith.constant 1 : i32
    %dma_start3A_16 = arith.constant 0 : i32
    %dma_start3A_17 = arith.constant 0 : i32
    %dma_start3A_18 = tpu.memref_slice %arg6[%dma_start3A_15, %dma_start3A_16, %dma_start3A_17] : memref<2x80x256xf32, #tpu.memory_space<vmem>> -> memref<1x80x256xf32, #tpu.memory_space<vmem>>
    %dma_start3A_19 = tpu.memref_squeeze %dma_start3A_18 : memref<1x80x256xf32, #tpu.memory_space<vmem>> -> memref<80x256xf32, #tpu.memory_space<vmem>>
    %dma_start3A_20 = arith.constant 0 : i32
    %dma_start3A_21 = tpu.memref_slice %arg5[%dma_start3A_14, %dma_start3A_20] : memref<4x80xi32, #tpu.memory_space<vmem>> -> memref<1x80xi32, #tpu.memory_space<vmem>>
    %dma_start3A_22 = tpu.memref_squeeze %dma_start3A_21 : memref<1x80xi32, #tpu.memory_space<vmem>> -> memref<80xi32, #tpu.memory_space<vmem>>
    %dma_start3A_23 = arith.constant 0 : i32
    %dma_start3A_24 = arith.constant 0 : i32
    %dma_start3A_25 = tpu.memref_slice %arg3[%dma_start3A_23, %dma_start3A_24] : memref<50001x256xf32, #tpu.memory_space<hbm>> -> memref<50001x256xf32, #tpu.memory_space<hbm>>
    tpu.enqueue_indirect_dma source(%dma_start3A_25 : memref<50001x256xf32, #tpu.memory_space<hbm>>) target(%dma_start3A_19 : memref<80x256xf32, #tpu.memory_space<vmem>>) offsets(%dma_start3A_22 : memref<80xi32, #tpu.memory_space<vmem>>) semaphore(%arg8 : memref<!tpu.dma_semaphore, #tpu.memory_space<semaphore_mem>>)
    %dma_wait3A = arith.constant 0 : i32
    %dma_wait3A_26 = arith.constant 0 : i32
    %dma_wait3A_27 = arith.constant 0 : i32
    %dma_wait3A_28 = arith.constant 0 : i32
    %dma_wait3A_29 = tpu.memref_slice %arg6[%dma_wait3A_26, %dma_wait3A_27, %dma_wait3A_28] : memref<2x80x256xf32, #tpu.memory_space<vmem>> -> memref<1x80x256xf32, #tpu.memory_space<vmem>>
    %dma_wait3A_30 = tpu.memref_squeeze %dma_wait3A_29 : memref<1x80x256xf32, #tpu.memory_space<vmem>> -> memref<80x256xf32, #tpu.memory_space<vmem>>
    %dma_wait3A_31 = arith.constant 0 : i32
    %dma_wait3A_32 = tpu.memref_slice %arg5[%dma_wait3A, %dma_wait3A_31] : memref<4x80xi32, #tpu.memory_space<vmem>> -> memref<1x80xi32, #tpu.memory_space<vmem>>
    %dma_wait3A_33 = tpu.memref_squeeze %dma_wait3A_32 : memref<1x80xi32, #tpu.memory_space<vmem>> -> memref<80xi32, #tpu.memory_space<vmem>>
    %dma_wait3A_34 = arith.constant 0 : i32
    %dma_wait3A_35 = arith.constant 0 : i32
    %dma_wait3A_36 = tpu.memref_slice %arg3[%dma_wait3A_34, %dma_wait3A_35] : memref<50001x256xf32, #tpu.memory_space<hbm>> -> memref<50001x256xf32, #tpu.memory_space<hbm>>
    tpu.wait_indirect_dma semaphore(%arg7 : memref<!tpu.dma_semaphore, #tpu.memory_space<semaphore_mem>>) src(%dma_wait3A_36 : memref<50001x256xf32, #tpu.memory_space<hbm>>) dst(%dma_wait3A_30 : memref<80x256xf32, #tpu.memory_space<vmem>>)
    %add3A_37 = arith.constant 0 : i32
    %add3A_38 = arith.addi %mul3A_2, %add3A_37 : i32
    %run_scoped3A = arith.constant 0 : i32
    "tpu.region"() ({
      %run_scoped3A_108 = tpu.sem_alloc : memref<!tpu.dma_semaphore, #tpu.memory_space<semaphore_mem>>
      %dma_start3A_109 = arith.constant 0 : i32
      %dma_start3A_110 = arith.constant 0 : i32
      %dma_start3A_111 = tpu.memref_slice %arg6[%run_scoped3A, %dma_start3A_109, %dma_start3A_110] : memref<2x80x256xf32, #tpu.memory_space<vmem>> -> memref<1x80x256xf32, #tpu.memory_space<vmem>>
      %dma_start3A_112 = tpu.memref_squeeze %dma_start3A_111 : memref<1x80x256xf32, #tpu.memory_space<vmem>> -> memref<80x256xf32, #tpu.memory_space<vmem>>
      %dma_start3A_113 = arith.constant 0 : i32
      %dma_start3A_114 = tpu.memref_slice %arg4[%add3A_38, %dma_start3A_113] : memref<10240x256xf32, #tpu.memory_space<hbm>> -> memref<80x256xf32, #tpu.memory_space<hbm>>
      %dma_start3A_115 = arith.constant 0 : i32
      %dma_start3A_116 = tpu.memref_slice %arg4[%add3A_38, %dma_start3A_115] : memref<10240x256xf32, #tpu.memory_space<hbm>> -> memref<80x256xf32, #tpu.memory_space<hbm>>
      %dma_start3A_117 = arith.constant 0 : i32
      %dma_start3A_118 = arith.constant 0 : i32
      %dma_start3A_119 = tpu.memref_slice %arg6[%run_scoped3A, %dma_start3A_117, %dma_start3A_118] : memref<2x80x256xf32, #tpu.memory_space<vmem>> -> memref<1x80x256xf32, #tpu.memory_space<vmem>>
      %dma_start3A_120 = tpu.memref_squeeze %dma_start3A_119 : memref<1x80x256xf32, #tpu.memory_space<vmem>> -> memref<80x256xf32, #tpu.memory_space<vmem>>
      tpu.enqueue_dma source(%dma_start3A_120 : memref<80x256xf32, #tpu.memory_space<vmem>>) target(%dma_start3A_116 : memref<80x256xf32, #tpu.memory_space<hbm>>) target_semaphore(%run_scoped3A_108 : memref<!tpu.dma_semaphore, #tpu.memory_space<semaphore_mem>>)
      %dma_wait3A_121 = arith.constant 0 : i32
      %dma_wait3A_122 = arith.constant 0 : i32
      %dma_wait3A_123 = tpu.memref_slice %arg6[%run_scoped3A, %dma_wait3A_121, %dma_wait3A_122] : memref<2x80x256xf32, #tpu.memory_space<vmem>> -> memref<1x80x256xf32, #tpu.memory_space<vmem>>
      %dma_wait3A_124 = tpu.memref_squeeze %dma_wait3A_123 : memref<1x80x256xf32, #tpu.memory_space<vmem>> -> memref<80x256xf32, #tpu.memory_space<vmem>>
      %dma_wait3A_125 = arith.constant 0 : i32
      %dma_wait3A_126 = tpu.memref_slice %arg4[%add3A_38, %dma_wait3A_125] : memref<10240x256xf32, #tpu.memory_space<hbm>> -> memref<80x256xf32, #tpu.memory_space<hbm>>
      %dma_wait3A_127 = arith.constant 0 : i32
      %dma_wait3A_128 = tpu.memref_slice %arg4[%add3A_38, %dma_wait3A_127] : memref<10240x256xf32, #tpu.memory_space<hbm>> -> memref<80x256xf32, #tpu.memory_space<hbm>>
      %dma_wait3A_129 = arith.constant 0 : i32
      %dma_wait3A_130 = arith.constant 0 : i32
      %dma_wait3A_131 = tpu.memref_slice %arg6[%run_scoped3A, %dma_wait3A_129, %dma_wait3A_130] : memref<2x80x256xf32, #tpu.memory_space<vmem>> -> memref<1x80x256xf32, #tpu.memory_space<vmem>>
      %dma_wait3A_132 = tpu.memref_squeeze %dma_wait3A_131 : memref<1x80x256xf32, #tpu.memory_space<vmem>> -> memref<80x256xf32, #tpu.memory_space<vmem>>
      tpu.wait_dma2 semaphore(%run_scoped3A_108 : memref<!tpu.dma_semaphore, #tpu.memory_space<semaphore_mem>>) src(%dma_wait3A_132 : memref<80x256xf32, #tpu.memory_space<vmem>>) dst(%dma_wait3A_128 : memref<80x256xf32, #tpu.memory_space<hbm>>)
      tpu.yield
    }) : () -> ()
    %dma_start3A_39 = arith.constant 2 : i32
    %dma_start3A_40 = arith.constant 0 : i32
    %dma_start3A_41 = arith.constant 0 : i32
    %dma_start3A_42 = arith.constant 0 : i32
    %dma_start3A_43 = tpu.memref_slice %arg6[%dma_start3A_40, %dma_start3A_41, %dma_start3A_42] : memref<2x80x256xf32, #tpu.memory_space<vmem>> -> memref<1x80x256xf32, #tpu.memory_space<vmem>>
    %dma_start3A_44 = tpu.memref_squeeze %dma_start3A_43 : memref<1x80x256xf32, #tpu.memory_space<vmem>> -> memref<80x256xf32, #tpu.memory_space<vmem>>
    %dma_start3A_45 = arith.constant 0 : i32
    %dma_start3A_46 = tpu.memref_slice %arg5[%dma_start3A_39, %dma_start3A_45] : memref<4x80xi32, #tpu.memory_space<vmem>> -> memref<1x80xi32, #tpu.memory_space<vmem>>
    %dma_start3A_47 = tpu.memref_squeeze %dma_start3A_46 : memref<1x80xi32, #tpu.memory_space<vmem>> -> memref<80xi32, #tpu.memory_space<vmem>>
    %dma_start3A_48 = arith.constant 0 : i32
    %dma_start3A_49 = arith.constant 0 : i32
    %dma_start3A_50 = tpu.memref_slice %arg3[%dma_start3A_48, %dma_start3A_49] : memref<50001x256xf32, #tpu.memory_space<hbm>> -> memref<50001x256xf32, #tpu.memory_space<hbm>>
    tpu.enqueue_indirect_dma source(%dma_start3A_50 : memref<50001x256xf32, #tpu.memory_space<hbm>>) target(%dma_start3A_44 : memref<80x256xf32, #tpu.memory_space<vmem>>) offsets(%dma_start3A_47 : memref<80xi32, #tpu.memory_space<vmem>>) semaphore(%arg7 : memref<!tpu.dma_semaphore, #tpu.memory_space<semaphore_mem>>)
    %dma_wait3A_51 = arith.constant 1 : i32
    %dma_wait3A_52 = arith.constant 1 : i32
    %dma_wait3A_53 = arith.constant 0 : i32
    %dma_wait3A_54 = arith.constant 0 : i32
    %dma_wait3A_55 = tpu.memref_slice %arg6[%dma_wait3A_52, %dma_wait3A_53, %dma_wait3A_54] : memref<2x80x256xf32, #tpu.memory_space<vmem>> -> memref<1x80x256xf32, #tpu.memory_space<vmem>>
    %dma_wait3A_56 = tpu.memref_squeeze %dma_wait3A_55 : memref<1x80x256xf32, #tpu.memory_space<vmem>> -> memref<80x256xf32, #tpu.memory_space<vmem>>
    %dma_wait3A_57 = arith.constant 0 : i32
    %dma_wait3A_58 = tpu.memref_slice %arg5[%dma_wait3A_51, %dma_wait3A_57] : memref<4x80xi32, #tpu.memory_space<vmem>> -> memref<1x80xi32, #tpu.memory_space<vmem>>
    %dma_wait3A_59 = tpu.memref_squeeze %dma_wait3A_58 : memref<1x80xi32, #tpu.memory_space<vmem>> -> memref<80xi32, #tpu.memory_space<vmem>>
    %dma_wait3A_60 = arith.constant 0 : i32
    %dma_wait3A_61 = arith.constant 0 : i32
    %dma_wait3A_62 = tpu.memref_slice %arg3[%dma_wait3A_60, %dma_wait3A_61] : memref<50001x256xf32, #tpu.memory_space<hbm>> -> memref<50001x256xf32, #tpu.memory_space<hbm>>
    tpu.wait_indirect_dma semaphore(%arg8 : memref<!tpu.dma_semaphore, #tpu.memory_space<semaphore_mem>>) src(%dma_wait3A_62 : memref<50001x256xf32, #tpu.memory_space<hbm>>) dst(%dma_wait3A_56 : memref<80x256xf32, #tpu.memory_space<vmem>>)
    %add3A_63 = arith.constant 80 : i32
    %add3A_64 = arith.addi %mul3A_2, %add3A_63 : i32
    %run_scoped3A_65 = arith.constant 1 : i32
    "tpu.region"() ({
      %run_scoped3A_108 = tpu.sem_alloc : memref<!tpu.dma_semaphore, #tpu.memory_space<semaphore_mem>>
      %dma_start3A_109 = arith.constant 0 : i32
      %dma_start3A_110 = arith.constant 0 : i32
      %dma_start3A_111 = tpu.memref_slice %arg6[%run_scoped3A_65, %dma_start3A_109, %dma_start3A_110] : memref<2x80x256xf32, #tpu.memory_space<vmem>> -> memref<1x80x256xf32, #tpu.memory_space<vmem>>
      %dma_start3A_112 = tpu.memref_squeeze %dma_start3A_111 : memref<1x80x256xf32, #tpu.memory_space<vmem>> -> memref<80x256xf32, #tpu.memory_space<vmem>>
      %dma_start3A_113 = arith.constant 0 : i32
      %dma_start3A_114 = tpu.memref_slice %arg4[%add3A_64, %dma_start3A_113] : memref<10240x256xf32, #tpu.memory_space<hbm>> -> memref<80x256xf32, #tpu.memory_space<hbm>>
      %dma_start3A_115 = arith.constant 0 : i32
      %dma_start3A_116 = tpu.memref_slice %arg4[%add3A_64, %dma_start3A_115] : memref<10240x256xf32, #tpu.memory_space<hbm>> -> memref<80x256xf32, #tpu.memory_space<hbm>>
      %dma_start3A_117 = arith.constant 0 : i32
      %dma_start3A_118 = arith.constant 0 : i32
      %dma_start3A_119 = tpu.memref_slice %arg6[%run_scoped3A_65, %dma_start3A_117, %dma_start3A_118] : memref<2x80x256xf32, #tpu.memory_space<vmem>> -> memref<1x80x256xf32, #tpu.memory_space<vmem>>
      %dma_start3A_120 = tpu.memref_squeeze %dma_start3A_119 : memref<1x80x256xf32, #tpu.memory_space<vmem>> -> memref<80x256xf32, #tpu.memory_space<vmem>>
      tpu.enqueue_dma source(%dma_start3A_120 : memref<80x256xf32, #tpu.memory_space<vmem>>) target(%dma_start3A_116 : memref<80x256xf32, #tpu.memory_space<hbm>>) target_semaphore(%run_scoped3A_108 : memref<!tpu.dma_semaphore, #tpu.memory_space<semaphore_mem>>)
      %dma_wait3A_121 = arith.constant 0 : i32
      %dma_wait3A_122 = arith.constant 0 : i32
      %dma_wait3A_123 = tpu.memref_slice %arg6[%run_scoped3A_65, %dma_wait3A_121, %dma_wait3A_122] : memref<2x80x256xf32, #tpu.memory_space<vmem>> -> memref<1x80x256xf32, #tpu.memory_space<vmem>>
      %dma_wait3A_124 = tpu.memref_squeeze %dma_wait3A_123 : memref<1x80x256xf32, #tpu.memory_space<vmem>> -> memref<80x256xf32, #tpu.memory_space<vmem>>
      %dma_wait3A_125 = arith.constant 0 : i32
      %dma_wait3A_126 = tpu.memref_slice %arg4[%add3A_64, %dma_wait3A_125] : memref<10240x256xf32, #tpu.memory_space<hbm>> -> memref<80x256xf32, #tpu.memory_space<hbm>>
      %dma_wait3A_127 = arith.constant 0 : i32
      %dma_wait3A_128 = tpu.memref_slice %arg4[%add3A_64, %dma_wait3A_127] : memref<10240x256xf32, #tpu.memory_space<hbm>> -> memref<80x256xf32, #tpu.memory_space<hbm>>
      %dma_wait3A_129 = arith.constant 0 : i32
      %dma_wait3A_130 = arith.constant 0 : i32
      %dma_wait3A_131 = tpu.memref_slice %arg6[%run_scoped3A_65, %dma_wait3A_129, %dma_wait3A_130] : memref<2x80x256xf32, #tpu.memory_space<vmem>> -> memref<1x80x256xf32, #tpu.memory_space<vmem>>
      %dma_wait3A_132 = tpu.memref_squeeze %dma_wait3A_131 : memref<1x80x256xf32, #tpu.memory_space<vmem>> -> memref<80x256xf32, #tpu.memory_space<vmem>>
      tpu.wait_dma2 semaphore(%run_scoped3A_108 : memref<!tpu.dma_semaphore, #tpu.memory_space<semaphore_mem>>) src(%dma_wait3A_132 : memref<80x256xf32, #tpu.memory_space<vmem>>) dst(%dma_wait3A_128 : memref<80x256xf32, #tpu.memory_space<hbm>>)
      tpu.yield
    }) : () -> ()
    %dma_start3A_66 = arith.constant 3 : i32
    %dma_start3A_67 = arith.constant 1 : i32
    %dma_start3A_68 = arith.constant 0 : i32
    %dma_start3A_69 = arith.constant 0 : i32
    %dma_start3A_70 = tpu.memref_slice %arg6[%dma_start3A_67, %dma_start3A_68, %dma_start3A_69] : memref<2x80x256xf32, #tpu.memory_space<vmem>> -> memref<1x80x256xf32, #tpu.memory_space<vmem>>
    %dma_start3A_71 = tpu.memref_squeeze %dma_start3A_70 : memref<1x80x256xf32, #tpu.memory_space<vmem>> -> memref<80x256xf32, #tpu.memory_space<vmem>>
    %dma_start3A_72 = arith.constant 0 : i32
    %dma_start3A_73 = tpu.memref_slice %arg5[%dma_start3A_66, %dma_start3A_72] : memref<4x80xi32, #tpu.memory_space<vmem>> -> memref<1x80xi32, #tpu.memory_space<vmem>>
    %dma_start3A_74 = tpu.memref_squeeze %dma_start3A_73 : memref<1x80xi32, #tpu.memory_space<vmem>> -> memref<80xi32, #tpu.memory_space<vmem>>
    %dma_start3A_75 = arith.constant 0 : i32
    %dma_start3A_76 = arith.constant 0 : i32
    %dma_start3A_77 = tpu.memref_slice %arg3[%dma_start3A_75, %dma_start3A_76] : memref<50001x256xf32, #tpu.memory_space<hbm>> -> memref<50001x256xf32, #tpu.memory_space<hbm>>
    tpu.enqueue_indirect_dma source(%dma_start3A_77 : memref<50001x256xf32, #tpu.memory_space<hbm>>) target(%dma_start3A_71 : memref<80x256xf32, #tpu.memory_space<vmem>>) offsets(%dma_start3A_74 : memref<80xi32, #tpu.memory_space<vmem>>) semaphore(%arg8 : memref<!tpu.dma_semaphore, #tpu.memory_space<semaphore_mem>>)
    %dma_wait3A_78 = arith.constant 2 : i32
    %dma_wait3A_79 = arith.constant 0 : i32
    %dma_wait3A_80 = arith.constant 0 : i32
    %dma_wait3A_81 = arith.constant 0 : i32
    %dma_wait3A_82 = tpu.memref_slice %arg6[%dma_wait3A_79, %dma_wait3A_80, %dma_wait3A_81] : memref<2x80x256xf32, #tpu.memory_space<vmem>> -> memref<1x80x256xf32, #tpu.memory_space<vmem>>
    %dma_wait3A_83 = tpu.memref_squeeze %dma_wait3A_82 : memref<1x80x256xf32, #tpu.memory_space<vmem>> -> memref<80x256xf32, #tpu.memory_space<vmem>>
    %dma_wait3A_84 = arith.constant 0 : i32
    %dma_wait3A_85 = tpu.memref_slice %arg5[%dma_wait3A_78, %dma_wait3A_84] : memref<4x80xi32, #tpu.memory_space<vmem>> -> memref<1x80xi32, #tpu.memory_space<vmem>>
    %dma_wait3A_86 = tpu.memref_squeeze %dma_wait3A_85 : memref<1x80xi32, #tpu.memory_space<vmem>> -> memref<80xi32, #tpu.memory_space<vmem>>
    %dma_wait3A_87 = arith.constant 0 : i32
    %dma_wait3A_88 = arith.constant 0 : i32
    %dma_wait3A_89 = tpu.memref_slice %arg3[%dma_wait3A_87, %dma_wait3A_88] : memref<50001x256xf32, #tpu.memory_space<hbm>> -> memref<50001x256xf32, #tpu.memory_space<hbm>>
    tpu.wait_indirect_dma semaphore(%arg7 : memref<!tpu.dma_semaphore, #tpu.memory_space<semaphore_mem>>) src(%dma_wait3A_89 : memref<50001x256xf32, #tpu.memory_space<hbm>>) dst(%dma_wait3A_83 : memref<80x256xf32, #tpu.memory_space<vmem>>)
    %add3A_90 = arith.constant 160 : i32
    %add3A_91 = arith.addi %mul3A_2, %add3A_90 : i32
    %run_scoped3A_92 = arith.constant 0 : i32
    "tpu.region"() ({
      %run_scoped3A_108 = tpu.sem_alloc : memref<!tpu.dma_semaphore, #tpu.memory_space<semaphore_mem>>
      %dma_start3A_109 = arith.constant 0 : i32
      %dma_start3A_110 = arith.constant 0 : i32
      %dma_start3A_111 = tpu.memref_slice %arg6[%run_scoped3A_92, %dma_start3A_109, %dma_start3A_110] : memref<2x80x256xf32, #tpu.memory_space<vmem>> -> memref<1x80x256xf32, #tpu.memory_space<vmem>>
      %dma_start3A_112 = tpu.memref_squeeze %dma_start3A_111 : memref<1x80x256xf32, #tpu.memory_space<vmem>> -> memref<80x256xf32, #tpu.memory_space<vmem>>
      %dma_start3A_113 = arith.constant 0 : i32
      %dma_start3A_114 = tpu.memref_slice %arg4[%add3A_91, %dma_start3A_113] : memref<10240x256xf32, #tpu.memory_space<hbm>> -> memref<80x256xf32, #tpu.memory_space<hbm>>
      %dma_start3A_115 = arith.constant 0 : i32
      %dma_start3A_116 = tpu.memref_slice %arg4[%add3A_91, %dma_start3A_115] : memref<10240x256xf32, #tpu.memory_space<hbm>> -> memref<80x256xf32, #tpu.memory_space<hbm>>
      %dma_start3A_117 = arith.constant 0 : i32
      %dma_start3A_118 = arith.constant 0 : i32
      %dma_start3A_119 = tpu.memref_slice %arg6[%run_scoped3A_92, %dma_start3A_117, %dma_start3A_118] : memref<2x80x256xf32, #tpu.memory_space<vmem>> -> memref<1x80x256xf32, #tpu.memory_space<vmem>>
      %dma_start3A_120 = tpu.memref_squeeze %dma_start3A_119 : memref<1x80x256xf32, #tpu.memory_space<vmem>> -> memref<80x256xf32, #tpu.memory_space<vmem>>
      tpu.enqueue_dma source(%dma_start3A_120 : memref<80x256xf32, #tpu.memory_space<vmem>>) target(%dma_start3A_116 : memref<80x256xf32, #tpu.memory_space<hbm>>) target_semaphore(%run_scoped3A_108 : memref<!tpu.dma_semaphore, #tpu.memory_space<semaphore_mem>>)
      %dma_wait3A_121 = arith.constant 0 : i32
      %dma_wait3A_122 = arith.constant 0 : i32
      %dma_wait3A_123 = tpu.memref_slice %arg6[%run_scoped3A_92, %dma_wait3A_121, %dma_wait3A_122] : memref<2x80x256xf32, #tpu.memory_space<vmem>> -> memref<1x80x256xf32, #tpu.memory_space<vmem>>
      %dma_wait3A_124 = tpu.memref_squeeze %dma_wait3A_123 : memref<1x80x256xf32, #tpu.memory_space<vmem>> -> memref<80x256xf32, #tpu.memory_space<vmem>>
      %dma_wait3A_125 = arith.constant 0 : i32
      %dma_wait3A_126 = tpu.memref_slice %arg4[%add3A_91, %dma_wait3A_125] : memref<10240x256xf32, #tpu.memory_space<hbm>> -> memref<80x256xf32, #tpu.memory_space<hbm>>
      %dma_wait3A_127 = arith.constant 0 : i32
      %dma_wait3A_128 = tpu.memref_slice %arg4[%add3A_91, %dma_wait3A_127] : memref<10240x256xf32, #tpu.memory_space<hbm>> -> memref<80x256xf32, #tpu.memory_space<hbm>>
      %dma_wait3A_129 = arith.constant 0 : i32
      %dma_wait3A_130 = arith.constant 0 : i32
      %dma_wait3A_131 = tpu.memref_slice %arg6[%run_scoped3A_92, %dma_wait3A_129, %dma_wait3A_130] : memref<2x80x256xf32, #tpu.memory_space<vmem>> -> memref<1x80x256xf32, #tpu.memory_space<vmem>>
      %dma_wait3A_132 = tpu.memref_squeeze %dma_wait3A_131 : memref<1x80x256xf32, #tpu.memory_space<vmem>> -> memref<80x256xf32, #tpu.memory_space<vmem>>
      tpu.wait_dma2 semaphore(%run_scoped3A_108 : memref<!tpu.dma_semaphore, #tpu.memory_space<semaphore_mem>>) src(%dma_wait3A_132 : memref<80x256xf32, #tpu.memory_space<vmem>>) dst(%dma_wait3A_128 : memref<80x256xf32, #tpu.memory_space<hbm>>)
      tpu.yield
    }) : () -> ()
    %dma_wait3A_93 = arith.constant 3 : i32
    %dma_wait3A_94 = arith.constant 1 : i32
    %dma_wait3A_95 = arith.constant 0 : i32
    %dma_wait3A_96 = arith.constant 0 : i32
    %dma_wait3A_97 = tpu.memref_slice %arg6[%dma_wait3A_94, %dma_wait3A_95, %dma_wait3A_96] : memref<2x80x256xf32, #tpu.memory_space<vmem>> -> memref<1x80x256xf32, #tpu.memory_space<vmem>>
    %dma_wait3A_98 = tpu.memref_squeeze %dma_wait3A_97 : memref<1x80x256xf32, #tpu.memory_space<vmem>> -> memref<80x256xf32, #tpu.memory_space<vmem>>
    %dma_wait3A_99 = arith.constant 0 : i32
    %dma_wait3A_100 = tpu.memref_slice %arg5[%dma_wait3A_93, %dma_wait3A_99] : memref<4x80xi32, #tpu.memory_space<vmem>> -> memref<1x80xi32, #tpu.memory_space<vmem>>
    %dma_wait3A_101 = tpu.memref_squeeze %dma_wait3A_100 : memref<1x80xi32, #tpu.memory_space<vmem>> -> memref<80xi32, #tpu.memory_space<vmem>>
    %dma_wait3A_102 = arith.constant 0 : i32
    %dma_wait3A_103 = arith.constant 0 : i32
    %dma_wait3A_104 = tpu.memref_slice %arg3[%dma_wait3A_102, %dma_wait3A_103] : memref<50001x256xf32, #tpu.memory_space<hbm>> -> memref<50001x256xf32, #tpu.memory_space<hbm>>
    tpu.wait_indirect_dma semaphore(%arg8 : memref<!tpu.dma_semaphore, #tpu.memory_space<semaphore_mem>>) src(%dma_wait3A_104 : memref<50001x256xf32, #tpu.memory_space<hbm>>) dst(%dma_wait3A_98 : memref<80x256xf32, #tpu.memory_space<vmem>>)
    %add3A_105 = arith.constant 240 : i32
    %add3A_106 = arith.addi %mul3A_2, %add3A_105 : i32
    %run_scoped3A_107 = arith.constant 1 : i32
    "tpu.region"() ({
      %run_scoped3A_108 = tpu.sem_alloc : memref<!tpu.dma_semaphore, #tpu.memory_space<semaphore_mem>>
      %dma_start3A_109 = arith.constant 0 : i32
      %dma_start3A_110 = arith.constant 0 : i32
      %dma_start3A_111 = tpu.memref_slice %arg6[%run_scoped3A_107, %dma_start3A_109, %dma_start3A_110] : memref<2x80x256xf32, #tpu.memory_space<vmem>> -> memref<1x80x256xf32, #tpu.memory_space<vmem>>
      %dma_start3A_112 = tpu.memref_squeeze %dma_start3A_111 : memref<1x80x256xf32, #tpu.memory_space<vmem>> -> memref<80x256xf32, #tpu.memory_space<vmem>>
      %dma_start3A_113 = arith.constant 0 : i32
      %dma_start3A_114 = tpu.memref_slice %arg4[%add3A_106, %dma_start3A_113] : memref<10240x256xf32, #tpu.memory_space<hbm>> -> memref<80x256xf32, #tpu.memory_space<hbm>>
      %dma_start3A_115 = arith.constant 0 : i32
      %dma_start3A_116 = tpu.memref_slice %arg4[%add3A_106, %dma_start3A_115] : memref<10240x256xf32, #tpu.memory_space<hbm>> -> memref<80x256xf32, #tpu.memory_space<hbm>>
      %dma_start3A_117 = arith.constant 0 : i32
      %dma_start3A_118 = arith.constant 0 : i32
      %dma_start3A_119 = tpu.memref_slice %arg6[%run_scoped3A_107, %dma_start3A_117, %dma_start3A_118] : memref<2x80x256xf32, #tpu.memory_space<vmem>> -> memref<1x80x256xf32, #tpu.memory_space<vmem>>
      %dma_start3A_120 = tpu.memref_squeeze %dma_start3A_119 : memref<1x80x256xf32, #tpu.memory_space<vmem>> -> memref<80x256xf32, #tpu.memory_space<vmem>>
      tpu.enqueue_dma source(%dma_start3A_120 : memref<80x256xf32, #tpu.memory_space<vmem>>) target(%dma_start3A_116 : memref<80x256xf32, #tpu.memory_space<hbm>>) target_semaphore(%run_scoped3A_108 : memref<!tpu.dma_semaphore, #tpu.memory_space<semaphore_mem>>)
      %dma_wait3A_121 = arith.constant 0 : i32
      %dma_wait3A_122 = arith.constant 0 : i32
      %dma_wait3A_123 = tpu.memref_slice %arg6[%run_scoped3A_107, %dma_wait3A_121, %dma_wait3A_122] : memref<2x80x256xf32, #tpu.memory_space<vmem>> -> memref<1x80x256xf32, #tpu.memory_space<vmem>>
      %dma_wait3A_124 = tpu.memref_squeeze %dma_wait3A_123 : memref<1x80x256xf32, #tpu.memory_space<vmem>> -> memref<80x256xf32, #tpu.memory_space<vmem>>
      %dma_wait3A_125 = arith.constant 0 : i32
      %dma_wait3A_126 = tpu.memref_slice %arg4[%add3A_106, %dma_wait3A_125] : memref<10240x256xf32, #tpu.memory_space<hbm>> -> memref<80x256xf32, #tpu.memory_space<hbm>>
      %dma_wait3A_127 = arith.constant 0 : i32
      %dma_wait3A_128 = tpu.memref_slice %arg4[%add3A_106, %dma_wait3A_127] : memref<10240x256xf32, #tpu.memory_space<hbm>> -> memref<80x256xf32, #tpu.memory_space<hbm>>
      %dma_wait3A_129 = arith.constant 0 : i32
      %dma_wait3A_130 = arith.constant 0 : i32
      %dma_wait3A_131 = tpu.memref_slice %arg6[%run_scoped3A_107, %dma_wait3A_129, %dma_wait3A_130] : memref<2x80x256xf32, #tpu.memory_space<vmem>> -> memref<1x80x256xf32, #tpu.memory_space<vmem>>
      %dma_wait3A_132 = tpu.memref_squeeze %dma_wait3A_131 : memref<1x80x256xf32, #tpu.memory_space<vmem>> -> memref<80x256xf32, #tpu.memory_space<vmem>>
      tpu.wait_dma2 semaphore(%run_scoped3A_108 : memref<!tpu.dma_semaphore, #tpu.memory_space<semaphore_mem>>) src(%dma_wait3A_132 : memref<80x256xf32, #tpu.memory_space<vmem>>) dst(%dma_wait3A_128 : memref<80x256xf32, #tpu.memory_space<hbm>>)
      tpu.yield
    }) : () -> ()
    return
  }
}

module attributes {stable_mosaic.version = 14 : i64} {
  func.func @_score_body(%arg0: i32, %arg1: memref<2048x256xf32, #tpu.memory_space<vmem>>, %arg2: memref<2048x1xf32, #tpu.memory_space<vmem>>, %arg3: memref<1x64xf32, #tpu.memory_space<vmem>>, %arg4: memref<1x64xf32, #tpu.memory_space<vmem>>, %arg5: memref<1x256xf32, #tpu.memory_space<vmem>>, %arg6: memref<1x256xf32, #tpu.memory_space<vmem>>, %arg7: memref<256x128xf32, #tpu.memory_space<vmem>>, %arg8: memref<128x64xf32, #tpu.memory_space<vmem>>, %arg9: memref<705x512xf32, #tpu.memory_space<vmem>>, %arg10: memref<1x512xf32, #tpu.memory_space<vmem>>, %arg11: memref<512x32xf32, #tpu.memory_space<vmem>>, %arg12: memref<1x32xf32, #tpu.memory_space<vmem>>, %arg13: memref<1x32xf32, #tpu.memory_space<vmem>>, %arg14: memref<1x1xf32, #tpu.memory_space<vmem>>, %arg15: memref<16x128xf32, #tpu.memory_space<vmem>>) attributes {dimension_semantics = [#tpu.dimension_semantics<arbitrary>], iteration_bounds = array<i64: 5>, scalar_prefetch = 0 : i64, scratch_operands = 0 : i64, tpu.core_type = #tpu.core_type<tc>, window_params = [{transform_indices = @transform_0, window_bounds = array<i64: 2048, 256>}, {transform_indices = @transform_1, window_bounds = array<i64: 2048, 1>}, {pipeline_mode = #tpu.pipeline_mode<synchronous>, transform_indices = @transform_2, window_bounds = array<i64: 1, 64>}, {pipeline_mode = #tpu.pipeline_mode<synchronous>, transform_indices = @transform_3, window_bounds = array<i64: 1, 64>}, {pipeline_mode = #tpu.pipeline_mode<synchronous>, transform_indices = @transform_4, window_bounds = array<i64: 1, 256>}, {pipeline_mode = #tpu.pipeline_mode<synchronous>, transform_indices = @transform_5, window_bounds = array<i64: 1, 256>}, {pipeline_mode = #tpu.pipeline_mode<synchronous>, transform_indices = @transform_6, window_bounds = array<i64: 256, 128>}, {pipeline_mode = #tpu.pipeline_mode<synchronous>, transform_indices = @transform_7, window_bounds = array<i64: 128, 64>}, {pipeline_mode = #tpu.pipeline_mode<synchronous>, transform_indices = @transform_8, window_bounds = array<i64: 705, 512>}, {pipeline_mode = #tpu.pipeline_mode<synchronous>, transform_indices = @transform_9, window_bounds = array<i64: 1, 512>}, {pipeline_mode = #tpu.pipeline_mode<synchronous>, transform_indices = @transform_10, window_bounds = array<i64: 512, 32>}, {pipeline_mode = #tpu.pipeline_mode<synchronous>, transform_indices = @transform_11, window_bounds = array<i64: 1, 32>}, {pipeline_mode = #tpu.pipeline_mode<synchronous>, transform_indices = @transform_12, window_bounds = array<i64: 1, 32>}, {pipeline_mode = #tpu.pipeline_mode<synchronous>, transform_indices = @transform_13, window_bounds = array<i64: 1, 1>}, {transform_indices = @transform_14, window_bounds = array<i64: 16, 128>}]} {
    %get3A = arith.constant 0 : index
    %get3A_0 = arith.constant 0 : index
    %get3A_1 = vector.load %arg1[%get3A, %get3A_0] : memref<2048x256xf32, #tpu.memory_space<vmem>>, vector<2048x256xf32>
    %get3A_2 = arith.constant 0 : index
    %get3A_3 = arith.constant 0 : index
    %get3A_4 = vector.load %arg7[%get3A_2, %get3A_3] : memref<256x128xf32, #tpu.memory_space<vmem>>, vector<256x128xf32>
    %dot_general3A = arith.constant dense<0.000000e+00> : vector<2048x128xf32>
    %dot_general3A_5 = tpu.matmul %get3A_1, %get3A_4, %dot_general3A {dimension_numbers = #tpu.dot_dimension_numbers<[1], [0], [0], [1], [0, 0, 1, 1], [], []>, transpose_lhs_hint = false} : vector<2048x256xf32>, vector<256x128xf32>, vector<2048x128xf32> -> vector<2048x128xf32>
    %get3A_6 = arith.constant 0 : index
    %get3A_7 = arith.constant 0 : index
    %get3A_8 = vector.load %arg8[%get3A_6, %get3A_7] : memref<128x64xf32, #tpu.memory_space<vmem>>, vector<128x64xf32>
    %dot_general3A_9 = arith.constant dense<0.000000e+00> : vector<2048x64xf32>
    %dot_general3A_10 = tpu.matmul %dot_general3A_5, %get3A_8, %dot_general3A_9 {dimension_numbers = #tpu.dot_dimension_numbers<[1], [0], [0], [1], [0, 0, 1, 1], [], []>, transpose_lhs_hint = false} : vector<2048x128xf32>, vector<128x64xf32>, vector<2048x64xf32> -> vector<2048x64xf32>
    %get3A_11 = arith.constant 0 : index
    %get3A_12 = arith.constant 0 : index
    %get3A_13 = vector.load %arg3[%get3A_11, %get3A_12] : memref<1x64xf32, #tpu.memory_space<vmem>>, vector<1x64xf32>
    %broadcast_in_dim3A = vector.shape_cast %get3A_13 : vector<1x64xf32> to vector<1x64xf32>
    %broadcast_in_dim3A_14 = vector.broadcast %broadcast_in_dim3A : vector<1x64xf32> to vector<2048x64xf32>
    %get3A_15 = arith.constant 0 : index
    %get3A_16 = arith.constant 0 : index
    %get3A_17 = vector.load %arg4[%get3A_15, %get3A_16] : memref<1x64xf32, #tpu.memory_space<vmem>>, vector<1x64xf32>
    %broadcast_in_dim3A_18 = vector.shape_cast %get3A_17 : vector<1x64xf32> to vector<1x64xf32>
    %broadcast_in_dim3A_19 = vector.broadcast %broadcast_in_dim3A_18 : vector<1x64xf32> to vector<2048x64xf32>
    %get3A_20 = arith.constant 0 : index
    %get3A_21 = arith.constant 0 : index
    %get3A_22 = vector.load %arg2[%get3A_20, %get3A_21] : memref<2048x1xf32, #tpu.memory_space<vmem>>, vector<2048x1xf32>
    %get3A_23 = arith.constant 0 : index
    %get3A_24 = arith.constant 0 : index
    %get3A_25 = vector.load %arg5[%get3A_23, %get3A_24] : memref<1x256xf32, #tpu.memory_space<vmem>>, vector<1x256xf32>
    %broadcast_in_dim3A_26 = vector.shape_cast %get3A_25 : vector<1x256xf32> to vector<1x256xf32>
    %broadcast_in_dim3A_27 = vector.broadcast %broadcast_in_dim3A_26 : vector<1x256xf32> to vector<2048x256xf32>
    %get3A_28 = arith.constant 0 : index
    %get3A_29 = arith.constant 0 : index
    %get3A_30 = vector.load %arg6[%get3A_28, %get3A_29] : memref<1x256xf32, #tpu.memory_space<vmem>>, vector<1x256xf32>
    %broadcast_in_dim3A_31 = vector.shape_cast %get3A_30 : vector<1x256xf32> to vector<1x256xf32>
    %broadcast_in_dim3A_32 = vector.broadcast %broadcast_in_dim3A_31 : vector<1x256xf32> to vector<2048x256xf32>
    %concatenate3A = tpu.concatenate %broadcast_in_dim3A_14, %dot_general3A_10, %broadcast_in_dim3A_19, %get3A_22, %broadcast_in_dim3A_27, %broadcast_in_dim3A_32 in 1 : vector<2048x64xf32>, vector<2048x64xf32>, vector<2048x64xf32>, vector<2048x1xf32>, vector<2048x256xf32>, vector<2048x256xf32> -> vector<2048x705xf32>
    %get3A_33 = arith.constant 0 : index
    %get3A_34 = arith.constant 0 : index
    %get3A_35 = vector.load %arg9[%get3A_33, %get3A_34] : memref<705x512xf32, #tpu.memory_space<vmem>>, vector<705x512xf32>
    %dot_general3A_36 = arith.constant dense<0.000000e+00> : vector<2048x512xf32>
    %dot_general3A_37 = tpu.matmul %concatenate3A, %get3A_35, %dot_general3A_36 {dimension_numbers = #tpu.dot_dimension_numbers<[1], [0], [0], [1], [0, 0, 1, 1], [], []>, transpose_lhs_hint = false} : vector<2048x705xf32>, vector<705x512xf32>, vector<2048x512xf32> -> vector<2048x512xf32>
    %get3A_38 = arith.constant 0 : index
    %get3A_39 = arith.constant 0 : index
    %get3A_40 = vector.load %arg10[%get3A_38, %get3A_39] : memref<1x512xf32, #tpu.memory_space<vmem>>, vector<1x512xf32>
    %add3A = vector.broadcast %get3A_40 : vector<1x512xf32> to vector<2048x512xf32>
    %add3A_41 = arith.addf %dot_general3A_37, %add3A : vector<2048x512xf32>
    %ge3A = arith.constant 0.000000e+00 : f32
    %ge3A_42 = vector.broadcast %ge3A : f32 to vector<2048x512xf32>
    %ge3A_43 = arith.cmpf oge, %add3A_41, %ge3A_42 : vector<2048x512xf32>
    %mul3A = arith.constant 0.00999999977 : f32
    %mul3A_44 = vector.broadcast %mul3A : f32 to vector<2048x512xf32>
    %mul3A_45 = arith.mulf %mul3A_44, %add3A_41 : vector<2048x512xf32>
    %select_n3A = arith.select %ge3A_43, %add3A_41, %mul3A_45 : vector<2048x512xi1>, vector<2048x512xf32>
    %get3A_46 = arith.constant 0 : index
    %get3A_47 = arith.constant 0 : index
    %get3A_48 = vector.load %arg11[%get3A_46, %get3A_47] : memref<512x32xf32, #tpu.memory_space<vmem>>, vector<512x32xf32>
    %dot_general3A_49 = arith.constant dense<0.000000e+00> : vector<2048x32xf32>
    %dot_general3A_50 = tpu.matmul %select_n3A, %get3A_48, %dot_general3A_49 {dimension_numbers = #tpu.dot_dimension_numbers<[1], [0], [0], [1], [0, 0, 1, 1], [], []>, transpose_lhs_hint = false} : vector<2048x512xf32>, vector<512x32xf32>, vector<2048x32xf32> -> vector<2048x32xf32>
    %get3A_51 = arith.constant 0 : index
    %get3A_52 = arith.constant 0 : index
    %get3A_53 = vector.load %arg12[%get3A_51, %get3A_52] : memref<1x32xf32, #tpu.memory_space<vmem>>, vector<1x32xf32>
    %add3A_54 = vector.broadcast %get3A_53 : vector<1x32xf32> to vector<2048x32xf32>
    %add3A_55 = arith.addf %dot_general3A_50, %add3A_54 : vector<2048x32xf32>
    %ge3A_56 = arith.constant 0.000000e+00 : f32
    %ge3A_57 = vector.broadcast %ge3A_56 : f32 to vector<2048x32xf32>
    %ge3A_58 = arith.cmpf oge, %add3A_55, %ge3A_57 : vector<2048x32xf32>
    %mul3A_59 = arith.constant 0.00999999977 : f32
    %mul3A_60 = vector.broadcast %mul3A_59 : f32 to vector<2048x32xf32>
    %mul3A_61 = arith.mulf %mul3A_60, %add3A_55 : vector<2048x32xf32>
    %select_n3A_62 = arith.select %ge3A_58, %add3A_55, %mul3A_61 : vector<2048x32xi1>, vector<2048x32xf32>
    %get3A_63 = arith.constant 0 : index
    %get3A_64 = arith.constant 0 : index
    %get3A_65 = vector.load %arg13[%get3A_63, %get3A_64] : memref<1x32xf32, #tpu.memory_space<vmem>>, vector<1x32xf32>
    %dot_general3A_66 = arith.constant dense<0.000000e+00> : vector<1x2048xf32>
    %dot_general3A_67 = tpu.matmul %get3A_65, %select_n3A_62, %dot_general3A_66 {dimension_numbers = #tpu.dot_dimension_numbers<[1], [1], [0], [0], [0, 0, 1, 0], [], []>, transpose_lhs_hint = false} : vector<1x32xf32>, vector<2048x32xf32>, vector<1x2048xf32> -> vector<1x2048xf32>
    %get3A_68 = arith.constant 0 : index
    %get3A_69 = arith.constant 0 : index
    %get3A_70 = vector.load %arg14[%get3A_68, %get3A_69] : memref<1x1xf32, #tpu.memory_space<vmem>>, vector<1x1xf32>
    %add3A_71 = vector.broadcast %get3A_70 : vector<1x1xf32> to vector<1x2048xf32>
    %add3A_72 = arith.addf %dot_general3A_67, %add3A_71 : vector<1x2048xf32>
    %mul3A_73 = arith.constant 2048 : i32
    %mul3A_74 = arith.muli %arg0, %mul3A_73 : i32
    %add3A_75 = arith.constant 10240 : i32
    %add3A_76 = arith.addi %add3A_75, %mul3A_74 : i32
    %iota3A = tpu.iota {dimensions = array<i32: 1>} : vector<1x2048xi32>
    %add3A_77 = vector.broadcast %add3A_76 : i32 to vector<1x2048xi32>
    %add3A_78 = arith.addi %add3A_77, %iota3A : vector<1x2048xi32>
    %lt3A = arith.constant 20000 : i32
    %lt3A_79 = vector.broadcast %lt3A : i32 to vector<1x2048xi32>
    %lt3A_80 = arith.cmpi slt, %add3A_78, %lt3A_79 : vector<1x2048xi32>
    %jit3A = arith.constant -1.000000e+09 : f32
    %broadcast_in_dim3A_81 = vector.broadcast %jit3A : f32 to vector<1x2048xf32>
    %select_n3A_82 = arith.select %lt3A_80, %add3A_72, %broadcast_in_dim3A_81 : vector<1x2048xi1>, vector<1x2048xf32>
    %reshape3A = vector.shape_cast %select_n3A_82 : vector<1x2048xf32> to vector<16x128xf32>
    %swap3A = arith.constant 0 : index
    %swap3A_83 = arith.constant 0 : index
    %swap3A_84 = vector.load %arg15[%swap3A, %swap3A_83] : memref<16x128xf32, #tpu.memory_space<vmem>>, vector<16x128xf32>
    tpu.vector_store %arg15[%swap3A, %swap3A_83], %reshape3A {strides = array<i32>} : memref<16x128xf32, #tpu.memory_space<vmem>>, vector<16x128xf32>,
    return
  }
  func.func @transform_0(%arg0: i32) -> (i32, i32) {
    %c0_i32 = arith.constant 0 : i32
    %c0_i32_0 = arith.constant 0 : i32
    return %arg0, %c0_i32 : i32, i32
  }
  func.func @transform_1(%arg0: i32) -> (i32, i32) {
    %c0_i32 = arith.constant 0 : i32
    %c0_i32_0 = arith.constant 0 : i32
    return %arg0, %c0_i32 : i32, i32
  }
  func.func @transform_2(%arg0: i32) -> (i32, i32) {
    %c0_i32 = arith.constant 0 : i32
    %c0_i32_0 = arith.constant 0 : i32
    %c0_i32_1 = arith.constant 0 : i32
    return %c0_i32, %c0_i32_0 : i32, i32
  }
  func.func @transform_3(%arg0: i32) -> (i32, i32) {
    %c0_i32 = arith.constant 0 : i32
    %c0_i32_0 = arith.constant 0 : i32
    %c0_i32_1 = arith.constant 0 : i32
    return %c0_i32, %c0_i32_0 : i32, i32
  }
  func.func @transform_4(%arg0: i32) -> (i32, i32) {
    %c0_i32 = arith.constant 0 : i32
    %c0_i32_0 = arith.constant 0 : i32
    %c0_i32_1 = arith.constant 0 : i32
    return %c0_i32, %c0_i32_0 : i32, i32
  }
  func.func @transform_5(%arg0: i32) -> (i32, i32) {
    %c0_i32 = arith.constant 0 : i32
    %c0_i32_0 = arith.constant 0 : i32
    %c0_i32_1 = arith.constant 0 : i32
    return %c0_i32, %c0_i32_0 : i32, i32
  }
  func.func @transform_6(%arg0: i32) -> (i32, i32) {
    %c0_i32 = arith.constant 0 : i32
    %c0_i32_0 = arith.constant 0 : i32
    %c0_i32_1 = arith.constant 0 : i32
    return %c0_i32, %c0_i32_0 : i32, i32
  }
  func.func @transform_7(%arg0: i32) -> (i32, i32) {
    %c0_i32 = arith.constant 0 : i32
    %c0_i32_0 = arith.constant 0 : i32
    %c0_i32_1 = arith.constant 0 : i32
    return %c0_i32, %c0_i32_0 : i32, i32
  }
  func.func @transform_8(%arg0: i32) -> (i32, i32) {
    %c0_i32 = arith.constant 0 : i32
    %c0_i32_0 = arith.constant 0 : i32
    %c0_i32_1 = arith.constant 0 : i32
    return %c0_i32, %c0_i32_0 : i32, i32
  }
  func.func @transform_9(%arg0: i32) -> (i32, i32) {
    %c0_i32 = arith.constant 0 : i32
    %c0_i32_0 = arith.constant 0 : i32
    %c0_i32_1 = arith.constant 0 : i32
    return %c0_i32, %c0_i32_0 : i32, i32
  }
  func.func @transform_10(%arg0: i32) -> (i32, i32) {
    %c0_i32 = arith.constant 0 : i32
    %c0_i32_0 = arith.constant 0 : i32
    %c0_i32_1 = arith.constant 0 : i32
    return %c0_i32, %c0_i32_0 : i32, i32
  }
  func.func @transform_11(%arg0: i32) -> (i32, i32) {
    %c0_i32 = arith.constant 0 : i32
    %c0_i32_0 = arith.constant 0 : i32
    %c0_i32_1 = arith.constant 0 : i32
    return %c0_i32, %c0_i32_0 : i32, i32
  }
  func.func @transform_12(%arg0: i32) -> (i32, i32) {
    %c0_i32 = arith.constant 0 : i32
    %c0_i32_0 = arith.constant 0 : i32
    %c0_i32_1 = arith.constant 0 : i32
    return %c0_i32, %c0_i32_0 : i32, i32
  }
  func.func @transform_13(%arg0: i32) -> (i32, i32) {
    %c0_i32 = arith.constant 0 : i32
    %c0_i32_0 = arith.constant 0 : i32
    %c0_i32_1 = arith.constant 0 : i32
    return %c0_i32, %c0_i32_0 : i32, i32
  }
  func.func @transform_14(%arg0: i32) -> (i32, i32) {
    %c0_i32 = arith.constant 0 : i32
    %c0_i32_0 = arith.constant 0 : i32
    return %arg0, %c0_i32 : i32, i32
  }
}

module attributes {stable_mosaic.version = 14 : i64} {
  func.func @_score_body(%arg0: i32, %arg1: memref<2048x256xf32, #tpu.memory_space<vmem>>, %arg2: memref<2048x1xf32, #tpu.memory_space<vmem>>, %arg3: memref<1x64xf32, #tpu.memory_space<vmem>>, %arg4: memref<1x64xf32, #tpu.memory_space<vmem>>, %arg5: memref<1x256xf32, #tpu.memory_space<vmem>>, %arg6: memref<1x256xf32, #tpu.memory_space<vmem>>, %arg7: memref<256x128xf32, #tpu.memory_space<vmem>>, %arg8: memref<128x64xf32, #tpu.memory_space<vmem>>, %arg9: memref<705x512xf32, #tpu.memory_space<vmem>>, %arg10: memref<1x512xf32, #tpu.memory_space<vmem>>, %arg11: memref<512x32xf32, #tpu.memory_space<vmem>>, %arg12: memref<1x32xf32, #tpu.memory_space<vmem>>, %arg13: memref<1x32xf32, #tpu.memory_space<vmem>>, %arg14: memref<1x1xf32, #tpu.memory_space<vmem>>, %arg15: memref<16x128xf32, #tpu.memory_space<vmem>>) attributes {dimension_semantics = [#tpu.dimension_semantics<arbitrary>], iteration_bounds = array<i64: 5>, scalar_prefetch = 0 : i64, scratch_operands = 0 : i64, tpu.core_type = #tpu.core_type<tc>, window_params = [{transform_indices = @transform_0, window_bounds = array<i64: 2048, 256>}, {transform_indices = @transform_1, window_bounds = array<i64: 2048, 1>}, {pipeline_mode = #tpu.pipeline_mode<synchronous>, transform_indices = @transform_2, window_bounds = array<i64: 1, 64>}, {pipeline_mode = #tpu.pipeline_mode<synchronous>, transform_indices = @transform_3, window_bounds = array<i64: 1, 64>}, {pipeline_mode = #tpu.pipeline_mode<synchronous>, transform_indices = @transform_4, window_bounds = array<i64: 1, 256>}, {pipeline_mode = #tpu.pipeline_mode<synchronous>, transform_indices = @transform_5, window_bounds = array<i64: 1, 256>}, {pipeline_mode = #tpu.pipeline_mode<synchronous>, transform_indices = @transform_6, window_bounds = array<i64: 256, 128>}, {pipeline_mode = #tpu.pipeline_mode<synchronous>, transform_indices = @transform_7, window_bounds = array<i64: 128, 64>}, {pipeline_mode = #tpu.pipeline_mode<synchronous>, transform_indices = @transform_8, window_bounds = array<i64: 705, 512>}, {pipeline_mode = #tpu.pipeline_mode<synchronous>, transform_indices = @transform_9, window_bounds = array<i64: 1, 512>}, {pipeline_mode = #tpu.pipeline_mode<synchronous>, transform_indices = @transform_10, window_bounds = array<i64: 512, 32>}, {pipeline_mode = #tpu.pipeline_mode<synchronous>, transform_indices = @transform_11, window_bounds = array<i64: 1, 32>}, {pipeline_mode = #tpu.pipeline_mode<synchronous>, transform_indices = @transform_12, window_bounds = array<i64: 1, 32>}, {pipeline_mode = #tpu.pipeline_mode<synchronous>, transform_indices = @transform_13, window_bounds = array<i64: 1, 1>}, {transform_indices = @transform_14, window_bounds = array<i64: 16, 128>}]} {
    %get3A = arith.constant 0 : index
    %get3A_0 = arith.constant 0 : index
    %get3A_1 = vector.load %arg1[%get3A, %get3A_0] : memref<2048x256xf32, #tpu.memory_space<vmem>>, vector<2048x256xf32>
    %get3A_2 = arith.constant 0 : index
    %get3A_3 = arith.constant 0 : index
    %get3A_4 = vector.load %arg7[%get3A_2, %get3A_3] : memref<256x128xf32, #tpu.memory_space<vmem>>, vector<256x128xf32>
    %dot_general3A = arith.constant dense<0.000000e+00> : vector<2048x128xf32>
    %dot_general3A_5 = tpu.matmul %get3A_1, %get3A_4, %dot_general3A {dimension_numbers = #tpu.dot_dimension_numbers<[1], [0], [0], [1], [0, 0, 1, 1], [], []>, transpose_lhs_hint = false} : vector<2048x256xf32>, vector<256x128xf32>, vector<2048x128xf32> -> vector<2048x128xf32>
    %get3A_6 = arith.constant 0 : index
    %get3A_7 = arith.constant 0 : index
    %get3A_8 = vector.load %arg8[%get3A_6, %get3A_7] : memref<128x64xf32, #tpu.memory_space<vmem>>, vector<128x64xf32>
    %dot_general3A_9 = arith.constant dense<0.000000e+00> : vector<2048x64xf32>
    %dot_general3A_10 = tpu.matmul %dot_general3A_5, %get3A_8, %dot_general3A_9 {dimension_numbers = #tpu.dot_dimension_numbers<[1], [0], [0], [1], [0, 0, 1, 1], [], []>, transpose_lhs_hint = false} : vector<2048x128xf32>, vector<128x64xf32>, vector<2048x64xf32> -> vector<2048x64xf32>
    %get3A_11 = arith.constant 0 : index
    %get3A_12 = arith.constant 0 : index
    %get3A_13 = vector.load %arg3[%get3A_11, %get3A_12] : memref<1x64xf32, #tpu.memory_space<vmem>>, vector<1x64xf32>
    %broadcast_in_dim3A = vector.shape_cast %get3A_13 : vector<1x64xf32> to vector<1x64xf32>
    %broadcast_in_dim3A_14 = vector.broadcast %broadcast_in_dim3A : vector<1x64xf32> to vector<2048x64xf32>
    %get3A_15 = arith.constant 0 : index
    %get3A_16 = arith.constant 0 : index
    %get3A_17 = vector.load %arg4[%get3A_15, %get3A_16] : memref<1x64xf32, #tpu.memory_space<vmem>>, vector<1x64xf32>
    %broadcast_in_dim3A_18 = vector.shape_cast %get3A_17 : vector<1x64xf32> to vector<1x64xf32>
    %broadcast_in_dim3A_19 = vector.broadcast %broadcast_in_dim3A_18 : vector<1x64xf32> to vector<2048x64xf32>
    %get3A_20 = arith.constant 0 : index
    %get3A_21 = arith.constant 0 : index
    %get3A_22 = vector.load %arg2[%get3A_20, %get3A_21] : memref<2048x1xf32, #tpu.memory_space<vmem>>, vector<2048x1xf32>
    %get3A_23 = arith.constant 0 : index
    %get3A_24 = arith.constant 0 : index
    %get3A_25 = vector.load %arg5[%get3A_23, %get3A_24] : memref<1x256xf32, #tpu.memory_space<vmem>>, vector<1x256xf32>
    %broadcast_in_dim3A_26 = vector.shape_cast %get3A_25 : vector<1x256xf32> to vector<1x256xf32>
    %broadcast_in_dim3A_27 = vector.broadcast %broadcast_in_dim3A_26 : vector<1x256xf32> to vector<2048x256xf32>
    %get3A_28 = arith.constant 0 : index
    %get3A_29 = arith.constant 0 : index
    %get3A_30 = vector.load %arg6[%get3A_28, %get3A_29] : memref<1x256xf32, #tpu.memory_space<vmem>>, vector<1x256xf32>
    %broadcast_in_dim3A_31 = vector.shape_cast %get3A_30 : vector<1x256xf32> to vector<1x256xf32>
    %broadcast_in_dim3A_32 = vector.broadcast %broadcast_in_dim3A_31 : vector<1x256xf32> to vector<2048x256xf32>
    %concatenate3A = tpu.concatenate %broadcast_in_dim3A_14, %dot_general3A_10, %broadcast_in_dim3A_19, %get3A_22, %broadcast_in_dim3A_27, %broadcast_in_dim3A_32 in 1 : vector<2048x64xf32>, vector<2048x64xf32>, vector<2048x64xf32>, vector<2048x1xf32>, vector<2048x256xf32>, vector<2048x256xf32> -> vector<2048x705xf32>
    %get3A_33 = arith.constant 0 : index
    %get3A_34 = arith.constant 0 : index
    %get3A_35 = vector.load %arg9[%get3A_33, %get3A_34] : memref<705x512xf32, #tpu.memory_space<vmem>>, vector<705x512xf32>
    %dot_general3A_36 = arith.constant dense<0.000000e+00> : vector<2048x512xf32>
    %dot_general3A_37 = tpu.matmul %concatenate3A, %get3A_35, %dot_general3A_36 {dimension_numbers = #tpu.dot_dimension_numbers<[1], [0], [0], [1], [0, 0, 1, 1], [], []>, transpose_lhs_hint = false} : vector<2048x705xf32>, vector<705x512xf32>, vector<2048x512xf32> -> vector<2048x512xf32>
    %get3A_38 = arith.constant 0 : index
    %get3A_39 = arith.constant 0 : index
    %get3A_40 = vector.load %arg10[%get3A_38, %get3A_39] : memref<1x512xf32, #tpu.memory_space<vmem>>, vector<1x512xf32>
    %add3A = vector.broadcast %get3A_40 : vector<1x512xf32> to vector<2048x512xf32>
    %add3A_41 = arith.addf %dot_general3A_37, %add3A : vector<2048x512xf32>
    %ge3A = arith.constant 0.000000e+00 : f32
    %ge3A_42 = vector.broadcast %ge3A : f32 to vector<2048x512xf32>
    %ge3A_43 = arith.cmpf oge, %add3A_41, %ge3A_42 : vector<2048x512xf32>
    %mul3A = arith.constant 0.00999999977 : f32
    %mul3A_44 = vector.broadcast %mul3A : f32 to vector<2048x512xf32>
    %mul3A_45 = arith.mulf %mul3A_44, %add3A_41 : vector<2048x512xf32>
    %select_n3A = arith.select %ge3A_43, %add3A_41, %mul3A_45 : vector<2048x512xi1>, vector<2048x512xf32>
    %get3A_46 = arith.constant 0 : index
    %get3A_47 = arith.constant 0 : index
    %get3A_48 = vector.load %arg11[%get3A_46, %get3A_47] : memref<512x32xf32, #tpu.memory_space<vmem>>, vector<512x32xf32>
    %dot_general3A_49 = arith.constant dense<0.000000e+00> : vector<2048x32xf32>
    %dot_general3A_50 = tpu.matmul %select_n3A, %get3A_48, %dot_general3A_49 {dimension_numbers = #tpu.dot_dimension_numbers<[1], [0], [0], [1], [0, 0, 1, 1], [], []>, transpose_lhs_hint = false} : vector<2048x512xf32>, vector<512x32xf32>, vector<2048x32xf32> -> vector<2048x32xf32>
    %get3A_51 = arith.constant 0 : index
    %get3A_52 = arith.constant 0 : index
    %get3A_53 = vector.load %arg12[%get3A_51, %get3A_52] : memref<1x32xf32, #tpu.memory_space<vmem>>, vector<1x32xf32>
    %add3A_54 = vector.broadcast %get3A_53 : vector<1x32xf32> to vector<2048x32xf32>
    %add3A_55 = arith.addf %dot_general3A_50, %add3A_54 : vector<2048x32xf32>
    %ge3A_56 = arith.constant 0.000000e+00 : f32
    %ge3A_57 = vector.broadcast %ge3A_56 : f32 to vector<2048x32xf32>
    %ge3A_58 = arith.cmpf oge, %add3A_55, %ge3A_57 : vector<2048x32xf32>
    %mul3A_59 = arith.constant 0.00999999977 : f32
    %mul3A_60 = vector.broadcast %mul3A_59 : f32 to vector<2048x32xf32>
    %mul3A_61 = arith.mulf %mul3A_60, %add3A_55 : vector<2048x32xf32>
    %select_n3A_62 = arith.select %ge3A_58, %add3A_55, %mul3A_61 : vector<2048x32xi1>, vector<2048x32xf32>
    %get3A_63 = arith.constant 0 : index
    %get3A_64 = arith.constant 0 : index
    %get3A_65 = vector.load %arg13[%get3A_63, %get3A_64] : memref<1x32xf32, #tpu.memory_space<vmem>>, vector<1x32xf32>
    %dot_general3A_66 = arith.constant dense<0.000000e+00> : vector<1x2048xf32>
    %dot_general3A_67 = tpu.matmul %get3A_65, %select_n3A_62, %dot_general3A_66 {dimension_numbers = #tpu.dot_dimension_numbers<[1], [1], [0], [0], [0, 0, 1, 0], [], []>, transpose_lhs_hint = false} : vector<1x32xf32>, vector<2048x32xf32>, vector<1x2048xf32> -> vector<1x2048xf32>
    %get3A_68 = arith.constant 0 : index
    %get3A_69 = arith.constant 0 : index
    %get3A_70 = vector.load %arg14[%get3A_68, %get3A_69] : memref<1x1xf32, #tpu.memory_space<vmem>>, vector<1x1xf32>
    %add3A_71 = vector.broadcast %get3A_70 : vector<1x1xf32> to vector<1x2048xf32>
    %add3A_72 = arith.addf %dot_general3A_67, %add3A_71 : vector<1x2048xf32>
    %mul3A_73 = arith.constant 2048 : i32
    %mul3A_74 = arith.muli %arg0, %mul3A_73 : i32
    %add3A_75 = arith.constant 0 : i32
    %add3A_76 = arith.addi %add3A_75, %mul3A_74 : i32
    %iota3A = tpu.iota {dimensions = array<i32: 1>} : vector<1x2048xi32>
    %add3A_77 = vector.broadcast %add3A_76 : i32 to vector<1x2048xi32>
    %add3A_78 = arith.addi %add3A_77, %iota3A : vector<1x2048xi32>
    %lt3A = arith.constant 20000 : i32
    %lt3A_79 = vector.broadcast %lt3A : i32 to vector<1x2048xi32>
    %lt3A_80 = arith.cmpi slt, %add3A_78, %lt3A_79 : vector<1x2048xi32>
    %jit3A = arith.constant -1.000000e+09 : f32
    %broadcast_in_dim3A_81 = vector.broadcast %jit3A : f32 to vector<1x2048xf32>
    %select_n3A_82 = arith.select %lt3A_80, %add3A_72, %broadcast_in_dim3A_81 : vector<1x2048xi1>, vector<1x2048xf32>
    %reshape3A = vector.shape_cast %select_n3A_82 : vector<1x2048xf32> to vector<16x128xf32>
    %swap3A = arith.constant 0 : index
    %swap3A_83 = arith.constant 0 : index
    %swap3A_84 = vector.load %arg15[%swap3A, %swap3A_83] : memref<16x128xf32, #tpu.memory_space<vmem>>, vector<16x128xf32>
    tpu.vector_store %arg15[%swap3A, %swap3A_83], %reshape3A {strides = array<i32>} : memref<16x128xf32, #tpu.memory_space<vmem>>, vector<16x128xf32>,
    return
  }
  func.func @transform_0(%arg0: i32) -> (i32, i32) {
    %c0_i32 = arith.constant 0 : i32
    %c0_i32_0 = arith.constant 0 : i32
    return %arg0, %c0_i32 : i32, i32
  }
  func.func @transform_1(%arg0: i32) -> (i32, i32) {
    %c0_i32 = arith.constant 0 : i32
    %c0_i32_0 = arith.constant 0 : i32
    return %arg0, %c0_i32 : i32, i32
  }
  func.func @transform_2(%arg0: i32) -> (i32, i32) {
    %c0_i32 = arith.constant 0 : i32
    %c0_i32_0 = arith.constant 0 : i32
    %c0_i32_1 = arith.constant 0 : i32
    return %c0_i32, %c0_i32_0 : i32, i32
  }
  func.func @transform_3(%arg0: i32) -> (i32, i32) {
    %c0_i32 = arith.constant 0 : i32
    %c0_i32_0 = arith.constant 0 : i32
    %c0_i32_1 = arith.constant 0 : i32
    return %c0_i32, %c0_i32_0 : i32, i32
  }
  func.func @transform_4(%arg0: i32) -> (i32, i32) {
    %c0_i32 = arith.constant 0 : i32
    %c0_i32_0 = arith.constant 0 : i32
    %c0_i32_1 = arith.constant 0 : i32
    return %c0_i32, %c0_i32_0 : i32, i32
  }
  func.func @transform_5(%arg0: i32) -> (i32, i32) {
    %c0_i32 = arith.constant 0 : i32
    %c0_i32_0 = arith.constant 0 : i32
    %c0_i32_1 = arith.constant 0 : i32
    return %c0_i32, %c0_i32_0 : i32, i32
  }
  func.func @transform_6(%arg0: i32) -> (i32, i32) {
    %c0_i32 = arith.constant 0 : i32
    %c0_i32_0 = arith.constant 0 : i32
    %c0_i32_1 = arith.constant 0 : i32
    return %c0_i32, %c0_i32_0 : i32, i32
  }
  func.func @transform_7(%arg0: i32) -> (i32, i32) {
    %c0_i32 = arith.constant 0 : i32
    %c0_i32_0 = arith.constant 0 : i32
    %c0_i32_1 = arith.constant 0 : i32
    return %c0_i32, %c0_i32_0 : i32, i32
  }
  func.func @transform_8(%arg0: i32) -> (i32, i32) {
    %c0_i32 = arith.constant 0 : i32
    %c0_i32_0 = arith.constant 0 : i32
    %c0_i32_1 = arith.constant 0 : i32
    return %c0_i32, %c0_i32_0 : i32, i32
  }
  func.func @transform_9(%arg0: i32) -> (i32, i32) {
    %c0_i32 = arith.constant 0 : i32
    %c0_i32_0 = arith.constant 0 : i32
    %c0_i32_1 = arith.constant 0 : i32
    return %c0_i32, %c0_i32_0 : i32, i32
  }
  func.func @transform_10(%arg0: i32) -> (i32, i32) {
    %c0_i32 = arith.constant 0 : i32
    %c0_i32_0 = arith.constant 0 : i32
    %c0_i32_1 = arith.constant 0 : i32
    return %c0_i32, %c0_i32_0 : i32, i32
  }
  func.func @transform_11(%arg0: i32) -> (i32, i32) {
    %c0_i32 = arith.constant 0 : i32
    %c0_i32_0 = arith.constant 0 : i32
    %c0_i32_1 = arith.constant 0 : i32
    return %c0_i32, %c0_i32_0 : i32, i32
  }
  func.func @transform_12(%arg0: i32) -> (i32, i32) {
    %c0_i32 = arith.constant 0 : i32
    %c0_i32_0 = arith.constant 0 : i32
    %c0_i32_1 = arith.constant 0 : i32
    return %c0_i32, %c0_i32_0 : i32, i32
  }
  func.func @transform_13(%arg0: i32) -> (i32, i32) {
    %c0_i32 = arith.constant 0 : i32
    %c0_i32_0 = arith.constant 0 : i32
    %c0_i32_1 = arith.constant 0 : i32
    return %c0_i32, %c0_i32_0 : i32, i32
  }
  func.func @transform_14(%arg0: i32) -> (i32, i32) {
    %c0_i32 = arith.constant 0 : i32
    %c0_i32_0 = arith.constant 0 : i32
    return %arg0, %c0_i32 : i32, i32
  }
}

module attributes {stable_mosaic.version = 14 : i64} {
  func.func @_topk_body(%arg0: memref<160x128xf32, #tpu.memory_space<vmem>>, %arg1: memref<160x128xf32, #tpu.memory_space<vmem>>, %arg2: memref<160x128xf32, #tpu.memory_space<vmem>>, %arg3: memref<160x128xf32, #tpu.memory_space<vmem>>) attributes {dimension_semantics = [], scalar_prefetch = 0 : i64, scratch_operands = 2 : i64, tpu.core_type = #tpu.core_type<tc>} {
    %iota3A = tpu.iota {dimensions = array<i32: 0>} : vector<160x128xi32>
    %mul3A = arith.constant 128 : i32
    %mul3A_0 = vector.broadcast %mul3A : i32 to vector<160x128xi32>
    %mul3A_1 = arith.muli %iota3A, %mul3A_0 : vector<160x128xi32>
    %iota3A_2 = tpu.iota {dimensions = array<i32: 1>} : vector<160x128xi32>
    %add3A = arith.addi %mul3A_1, %iota3A_2 : vector<160x128xi32>
    %broadcast_in_dim3A = arith.constant 0.000000e+00 : f32
    %broadcast_in_dim3A_3 = vector.broadcast %broadcast_in_dim3A : f32 to vector<160x128xf32>
    %swap3A = arith.constant 0 : index
    %swap3A_4 = arith.constant 0 : index
    %swap3A_5 = vector.load %arg1[%swap3A, %swap3A_4] : memref<160x128xf32, #tpu.memory_space<vmem>>, vector<160x128xf32>
    tpu.vector_store %arg1[%swap3A, %swap3A_4], %broadcast_in_dim3A_3 {strides = array<i32>} : memref<160x128xf32, #tpu.memory_space<vmem>>, vector<160x128xf32>,
    %get3A = arith.constant 0 : index
    %get3A_6 = arith.constant 0 : index
    %get3A_7 = vector.load %arg0[%get3A, %get3A_6] : memref<160x128xf32, #tpu.memory_space<vmem>>, vector<160x128xf32>
    %div3A = arith.constant 0.00999999977 : f32
    %div3A_8 = vector.broadcast %div3A : f32 to vector<160x128xf32>
    %div3A_9 = arith.divf %get3A_7, %div3A_8 : vector<160x128xf32>
    %swap3A_10 = arith.constant 0 : index
    %swap3A_11 = arith.constant 0 : index
    %swap3A_12 = vector.load %arg2[%swap3A_10, %swap3A_11] : memref<160x128xf32, #tpu.memory_space<vmem>>, vector<160x128xf32>
    tpu.vector_store %arg2[%swap3A_10, %swap3A_11], %div3A_9 {strides = array<i32>} : memref<160x128xf32, #tpu.memory_space<vmem>>, vector<160x128xf32>,
    %get3A_13 = arith.constant 0 : index
    %get3A_14 = arith.constant 0 : index
    %get3A_15 = vector.load %arg2[%get3A_13, %get3A_14] : memref<160x128xf32, #tpu.memory_space<vmem>>, vector<160x128xf32>
    %get3A_16 = arith.constant 0 : index
    %get3A_17 = arith.constant 0 : index
    %get3A_18 = vector.load %arg2[%get3A_16, %get3A_17] : memref<160x128xf32, #tpu.memory_space<vmem>>, vector<160x128xf32>
    %reduce_max3A = vector.shape_cast %get3A_18 : vector<160x128xf32> to vector<1x160x128xf32>
    %reduce_max3A_19 = arith.constant dense<0xFF800000> : vector<1xf32>
    %reduce_max3A_20 = vector.multi_reduction <maximumf>, %reduce_max3A, %reduce_max3A_19 [1, 2] : vector<1x160x128xf32> to vector<1xf32>
    %reduce_max3A_21 = vector.shape_cast %reduce_max3A_20 : vector<1xf32> to vector<1x1x1xf32>
    %reduce_max3A_22 = vector.extract %reduce_max3A_21[0, 0, 0] : f32 from vector<1x1x1xf32>
    %sub3A = vector.broadcast %reduce_max3A_22 : f32 to vector<160x128xf32>
    %sub3A_23 = arith.subf %get3A_15, %sub3A : vector<160x128xf32>
    %exp3A = math.exp %sub3A_23 : vector<160x128xf32>
    %swap3A_24 = arith.constant 0 : index
    %swap3A_25 = arith.constant 0 : index
    %swap3A_26 = vector.load %arg3[%swap3A_24, %swap3A_25] : memref<160x128xf32, #tpu.memory_space<vmem>>, vector<160x128xf32>
    tpu.vector_store %arg3[%swap3A_24, %swap3A_25], %exp3A {strides = array<i32>} : memref<160x128xf32, #tpu.memory_space<vmem>>, vector<160x128xf32>,
    %scan3A = arith.constant 1073741824 : i32
    %scan3A_27 = arith.constant 0.000000e+00 : f32
    %scan3A_28 = arith.constant 0 : i32
    %scan3A_29 = arith.constant 64 : i32
    %scan3A_30 = arith.addi %scan3A_28, %scan3A_29 : i32
    %scan3A_31 = arith.constant 1 : i32
    %scan3A_32 = scf.for %scan3A_45 = %scan3A_28 to %scan3A_30 step %scan3A_31 iter_args(%scan3A_46 = %scan3A_27) -> (f32)  : i32 {
      %get3A_47 = arith.constant 0 : index
      %get3A_48 = arith.constant 0 : index
      %get3A_49 = vector.load %arg3[%get3A_47, %get3A_48] : memref<160x128xf32, #tpu.memory_space<vmem>>, vector<160x128xf32>
      %reduce_max3A_50 = vector.shape_cast %get3A_49 : vector<160x128xf32> to vector<1x160x128xf32>
      %reduce_max3A_51 = arith.constant dense<0xFF800000> : vector<1xf32>
      %reduce_max3A_52 = vector.multi_reduction <maximumf>, %reduce_max3A_50, %reduce_max3A_51 [1, 2] : vector<1x160x128xf32> to vector<1xf32>
      %reduce_max3A_53 = vector.shape_cast %reduce_max3A_52 : vector<1xf32> to vector<1x1x1xf32>
      %reduce_max3A_54 = vector.extract %reduce_max3A_53[0, 0, 0] : f32 from vector<1x1x1xf32>
      %lt3A = arith.constant 9.99999968E-21 : f32
      %lt3A_55 = arith.cmpf olt, %reduce_max3A_54, %lt3A : f32
      %convert_element_type3A = arith.extui %lt3A_55 : i1 to i32
      %cond3A = arith.constant 0 : i32
      %cond3A_56 = arith.cmpi ne, %convert_element_type3A, %cond3A : i32
      scf.if %cond3A_56 {
        %get3A_111 = arith.constant 0 : index
        %get3A_112 = arith.constant 0 : index
        %get3A_113 = vector.load %arg1[%get3A_111, %get3A_112] : memref<160x128xf32, #tpu.memory_space<vmem>>, vector<160x128xf32>
        %get3A_114 = arith.constant 0 : index
        %get3A_115 = arith.constant 0 : index
        %get3A_116 = vector.load %arg3[%get3A_114, %get3A_115] : memref<160x128xf32, #tpu.memory_space<vmem>>, vector<160x128xf32>
        %mul3A_117 = vector.broadcast %scan3A_46 : f32 to vector<160x128xf32>
        %mul3A_118 = arith.mulf %get3A_116, %mul3A_117 : vector<160x128xf32>
        %add3A_119 = arith.addf %get3A_113, %mul3A_118 : vector<160x128xf32>
        %swap3A_120 = arith.constant 0 : index
        %swap3A_121 = arith.constant 0 : index
        %swap3A_122 = vector.load %arg1[%swap3A_120, %swap3A_121] : memref<160x128xf32, #tpu.memory_space<vmem>>, vector<160x128xf32>
        tpu.vector_store %arg1[%swap3A_120, %swap3A_121], %add3A_119 {strides = array<i32>} : memref<160x128xf32, #tpu.memory_space<vmem>>, vector<160x128xf32>,
        %get3A_123 = arith.constant 0 : index
        %get3A_124 = arith.constant 0 : index
        %get3A_125 = vector.load %arg2[%get3A_123, %get3A_124] : memref<160x128xf32, #tpu.memory_space<vmem>>, vector<160x128xf32>
        %get3A_126 = arith.constant 0 : index
        %get3A_127 = arith.constant 0 : index
        %get3A_128 = vector.load %arg2[%get3A_126, %get3A_127] : memref<160x128xf32, #tpu.memory_space<vmem>>, vector<160x128xf32>
        %reduce_max3A_129 = vector.shape_cast %get3A_128 : vector<160x128xf32> to vector<1x160x128xf32>
        %reduce_max3A_130 = arith.constant dense<0xFF800000> : vector<1xf32>
        %reduce_max3A_131 = vector.multi_reduction <maximumf>, %reduce_max3A_129, %reduce_max3A_130 [1, 2] : vector<1x160x128xf32> to vector<1xf32>
        %reduce_max3A_132 = vector.shape_cast %reduce_max3A_131 : vector<1xf32> to vector<1x1x1xf32>
        %reduce_max3A_133 = vector.extract %reduce_max3A_132[0, 0, 0] : f32 from vector<1x1x1xf32>
        %sub3A_134 = vector.broadcast %reduce_max3A_133 : f32 to vector<160x128xf32>
        %sub3A_135 = arith.subf %get3A_125, %sub3A_134 : vector<160x128xf32>
        %exp3A_136 = math.exp %sub3A_135 : vector<160x128xf32>
        %swap3A_137 = arith.constant 0 : index
        %swap3A_138 = arith.constant 0 : index
        %swap3A_139 = vector.load %arg3[%swap3A_137, %swap3A_138] : memref<160x128xf32, #tpu.memory_space<vmem>>, vector<160x128xf32>
        tpu.vector_store %arg3[%swap3A_137, %swap3A_138], %exp3A_136 {strides = array<i32>} : memref<160x128xf32, #tpu.memory_space<vmem>>, vector<160x128xf32>,
      } else {
      }
      %jit3A = arith.constant 0.000000e+00 : f32
      %select_n3A = arith.select %lt3A_55, %jit3A, %scan3A_46 : f32
      %jit3A_57 = arith.constant 1.000000e+00 : f32
      %select_n3A_58 = arith.select %lt3A_55, %jit3A_57, %reduce_max3A_54 : f32
      %get3A_59 = arith.constant 0 : index
      %get3A_60 = arith.constant 0 : index
      %get3A_61 = vector.load %arg3[%get3A_59, %get3A_60] : memref<160x128xf32, #tpu.memory_space<vmem>>, vector<160x128xf32>
      %reduce_sum3A = vector.shape_cast %get3A_61 : vector<160x128xf32> to vector<1x160x128xf32>
      %reduce_sum3A_62 = arith.constant dense<0.000000e+00> : vector<1xf32>
      %reduce_sum3A_63 = vector.multi_reduction <add>, %reduce_sum3A, %reduce_sum3A_62 [1, 2] : vector<1x160x128xf32> to vector<1xf32>
      %reduce_sum3A_64 = vector.shape_cast %reduce_sum3A_63 : vector<1xf32> to vector<1x1x1xf32>
      %reduce_sum3A_65 = vector.extract %reduce_sum3A_64[0, 0, 0] : f32 from vector<1x1x1xf32>
      %div3A_66 = arith.constant 1.000000e+00 : f32
      %div3A_67 = arith.divf %div3A_66, %reduce_sum3A_65 : f32
      %add3A_68 = arith.addf %select_n3A, %div3A_67 : f32
      %get3A_69 = arith.constant 0 : index
      %get3A_70 = arith.constant 0 : index
      %get3A_71 = vector.load %arg3[%get3A_69, %get3A_70] : memref<160x128xf32, #tpu.memory_space<vmem>>, vector<160x128xf32>
      %eq3A = vector.broadcast %select_n3A_58 : f32 to vector<160x128xf32>
      %eq3A_72 = arith.cmpf oeq, %get3A_71, %eq3A : vector<160x128xf32>
      %broadcast_in_dim3A_73 = vector.broadcast %scan3A : i32 to vector<160x128xi32>
      %select_n3A_74 = arith.select %eq3A_72, %add3A, %broadcast_in_dim3A_73 : vector<160x128xi1>, vector<160x128xi32>
      %reduce_min3A = vector.shape_cast %select_n3A_74 : vector<160x128xi32> to vector<1x160x128xi32>
      %reduce_min3A_75 = arith.constant dense<2147483647> : vector<1xi32>
      %reduce_min3A_76 = vector.multi_reduction <minsi>, %reduce_min3A, %reduce_min3A_75 [1, 2] : vector<1x160x128xi32> to vector<1xi32>
      %reduce_min3A_77 = vector.shape_cast %reduce_min3A_76 : vector<1xi32> to vector<1x1x1xi32>
      %reduce_min3A_78 = vector.extract %reduce_min3A_77[0, 0, 0] : i32 from vector<1x1x1xi32>
      %eq3A_79 = vector.broadcast %reduce_min3A_78 : i32 to vector<160x128xi32>
      %eq3A_80 = arith.cmpi eq, %add3A, %eq3A_79 : vector<160x128xi32>
      %get3A_81 = arith.constant 0 : index
      %get3A_82 = arith.constant 0 : index
      %get3A_83 = vector.load %arg1[%get3A_81, %get3A_82] : memref<160x128xf32, #tpu.memory_space<vmem>>, vector<160x128xf32>
      %mul3A_84 = arith.mulf %select_n3A_58, %add3A_68 : f32
      %jit3A_85 = arith.constant 0.000000e+00 : f32
      %broadcast_in_dim3A_86 = vector.broadcast %mul3A_84 : f32 to vector<160x128xf32>
      %broadcast_in_dim3A_87 = vector.broadcast %jit3A_85 : f32 to vector<160x128xf32>
      %select_n3A_88 = arith.select %eq3A_80, %broadcast_in_dim3A_86, %broadcast_in_dim3A_87 : vector<160x128xi1>, vector<160x128xf32>
      %add3A_89 = arith.addf %get3A_83, %select_n3A_88 : vector<160x128xf32>
      %swap3A_90 = arith.constant 0 : index
      %swap3A_91 = arith.constant 0 : index
      %swap3A_92 = vector.load %arg1[%swap3A_90, %swap3A_91] : memref<160x128xf32, #tpu.memory_space<vmem>>, vector<160x128xf32>
      tpu.vector_store %arg1[%swap3A_90, %swap3A_91], %add3A_89 {strides = array<i32>} : memref<160x128xf32, #tpu.memory_space<vmem>>, vector<160x128xf32>,
      %get3A_93 = arith.constant 0 : index
      %get3A_94 = arith.constant 0 : index
      %get3A_95 = vector.load %arg3[%get3A_93, %get3A_94] : memref<160x128xf32, #tpu.memory_space<vmem>>, vector<160x128xf32>
      %jit3A_96 = arith.constant 0.000000e+00 : f32
      %broadcast_in_dim3A_97 = vector.broadcast %jit3A_96 : f32 to vector<160x128xf32>
      %select_n3A_98 = arith.select %eq3A_80, %broadcast_in_dim3A_97, %get3A_95 : vector<160x128xi1>, vector<160x128xf32>
      %swap3A_99 = arith.constant 0 : index
      %swap3A_100 = arith.constant 0 : index
      %swap3A_101 = vector.load %arg3[%swap3A_99, %swap3A_100] : memref<160x128xf32, #tpu.memory_space<vmem>>, vector<160x128xf32>
      tpu.vector_store %arg3[%swap3A_99, %swap3A_100], %select_n3A_98 {strides = array<i32>} : memref<160x128xf32, #tpu.memory_space<vmem>>, vector<160x128xf32>,
      %get3A_102 = arith.constant 0 : index
      %get3A_103 = arith.constant 0 : index
      %get3A_104 = vector.load %arg2[%get3A_102, %get3A_103] : memref<160x128xf32, #tpu.memory_space<vmem>>, vector<160x128xf32>
      %jit3A_105 = arith.constant -1.000000e+30 : f32
      %broadcast_in_dim3A_106 = vector.broadcast %jit3A_105 : f32 to vector<160x128xf32>
      %select_n3A_107 = arith.select %eq3A_80, %broadcast_in_dim3A_106, %get3A_104 : vector<160x128xi1>, vector<160x128xf32>
      %swap3A_108 = arith.constant 0 : index
      %swap3A_109 = arith.constant 0 : index
      %swap3A_110 = vector.load %arg2[%swap3A_108, %swap3A_109] : memref<160x128xf32, #tpu.memory_space<vmem>>, vector<160x128xf32>
      tpu.vector_store %arg2[%swap3A_108, %swap3A_109], %select_n3A_107 {strides = array<i32>} : memref<160x128xf32, #tpu.memory_space<vmem>>, vector<160x128xf32>,
      scf.yield %add3A_68 : f32
    }
    %get3A_33 = arith.constant 0 : index
    %get3A_34 = arith.constant 0 : index
    %get3A_35 = vector.load %arg1[%get3A_33, %get3A_34] : memref<160x128xf32, #tpu.memory_space<vmem>>, vector<160x128xf32>
    %get3A_36 = arith.constant 0 : index
    %get3A_37 = arith.constant 0 : index
    %get3A_38 = vector.load %arg3[%get3A_36, %get3A_37] : memref<160x128xf32, #tpu.memory_space<vmem>>, vector<160x128xf32>
    %mul3A_39 = vector.broadcast %scan3A_32 : f32 to vector<160x128xf32>
    %mul3A_40 = arith.mulf %get3A_38, %mul3A_39 : vector<160x128xf32>
    %add3A_41 = arith.addf %get3A_35, %mul3A_40 : vector<160x128xf32>
    %swap3A_42 = arith.constant 0 : index
    %swap3A_43 = arith.constant 0 : index
    %swap3A_44 = vector.load %arg1[%swap3A_42, %swap3A_43] : memref<160x128xf32, #tpu.memory_space<vmem>>, vector<160x128xf32>
    tpu.vector_store %arg1[%swap3A_42, %swap3A_43], %add3A_41 {strides = array<i32>} : memref<160x128xf32, #tpu.memory_space<vmem>>, vector<160x128xf32>,
    return
  }
}

</mosaic_0001>

<sc_bundles>
// kernel: kernel.10.cloned.1.call-start
scs
__scs_entry_jumppad:
0x0: {  	(pc) =	sbr.rel $0x88, $3  }
0x1: {  	(tag) =	ssettag $0x0;
	lr =	simm.s32 $0x1  }
0x2: {  	[smem:$0x3F93] =	sst lr;
	_ =	strace $0xD0000000  }
0x3: {  	_ = 	snop  }
0x4: {  	_ = 	snop  }
0x5: {  	_ = 	snop  }
0x6: {  	_ = 	snop  }
0x7: {  	_ = 	snop  }
__scs_overlays_trampoline_lowered:
0x8: {  	[smem:$0x3FA2] =	sst s0  }
0x9: {  	[smem:$0x3FA3] =	sst s1  }
0xa: {  	[smem:$0x3FA4] =	sst s2  }
0xb: {  	[smem:$0x3FA5] =	sst s3  }
0xc: {  	[smem:$0x3FA6] =	sst s4  }
0xd: {  	[smem:$0x3FA7] =	sst s5  }
0xe: {  	[smem:$0x3FA8] =	sst s6  }
0xf: {  	[smem:$0x3FA9] =	sst s7  }
0x10: {  	[smem:$0x3FAA] =	sst s8  }
0x11: {  	[smem:$0x3FAB] =	sst s9;
	s0 =	simm.s32 @!p0 $0x0  }
0x12: {  	s1 =	sld [smem:$0x3F91];
	s0 =	simm.s32 @p0 $0x1  }
0x13: {  	[smem:$0x3FAC] =	sst s0;
	s0 =	simm.s32 @!p1 $0x0  }
0x14: {  	s2 =	sld [smem:$0x3F90];
	s0 =	simm.s32 @p1 $0x1  }
0x15: {  	[smem:$0x3FAD] =	sst s0;
	s0 =	simm.s32 @!p2 $0x0  }
0x16: {  	s3 =	sld [smem:$0x3FDB];
	s0 =	simm.s32 @p2 $0x1  }
0x17: {  	s4 =	simm.s32 $0x1BF5;
	[smem:$0x3FAF] =	sst s0  }
0x18: {  	s0 =	sld [smem:$0x3F92];
	_ =	swait.ge [sflag:s4], $0x0  }
0x19: {  	s7 =	sld [smem:$0x3F93]  }
0x1a: {  	s8 =	sadd.s32 $0xFFFFE003, lr  }
0x1b: {  	s9 =	sadd.s32 $0xFFFFFEF7, lr;
	s5 =	simm.s32 $0xFFFFFFFF;
	p2 =	slt.u32 s8, $0xFFFFF086  }
0x1c: {  	p1 =	slt.u32 s9, $0xF7A;
	s5 =	simm.s32 @!p2 $0x0  }
0x1d: {  	s5 =	simm.s32 @p1 $0x1;
	p0 =	seq.s32 s7, s2  }
0x1e: {  	s7 =	smul.u32 @!p0 $0xF7A, s2;
	p2 =	seq.s32 @!p0 s5, $0x0  }
0x1f: {  	s9 =	smul.u32 $0xF7A, s1;
	s8 =	simm.s32 @!p0 $0x1BF5;
	p2 =	por !p2, p0  }
0x20: {  	[sflag:s8] =	ssyncset.s32 @!p0 $0xFFFFF086;
	s6 =	sadd.s32 @!p0 s3, s7;
	s7 =	simm.s32 @!p0 $0x108  }
0x21: {  	s3 =	sadd.s32 s3, s9;
	s6 =	sadd.s32 @!p0 $0x88, s6;
	s7 =	simm.s32 @p2 $0x1082  }
0x22: {  	[simem:s7], [sflag:s8] =	dma.local @!p0 [hbm:s6], $0xF7A  }
0x23: {  	s9 =	sor.u32 $0xD0000000, s2;
	s6 =	simm.s32 $0x108;
	_ =	swait.ge @!p0 [sflag:s8], $0x0  }
0x24: {  	s3 =	sadd.s32 $0x88, s3;
	s6 =	simm.s32 @!p1 $0x1082;
	[sflag:s4] =	ssyncset.s32 $0xFFFFF086  }
0x25: {  	[simem:s6], [sflag:s4] =	dma.local [hbm:s3], $0xF7A  }
0x26: {  	[smem:$0x3F93] =	sst s1;
	(tag) =	ssettag s2;
	_ =	strace s9  }
0x27: {  	s1 =	sld [smem:$0x3FA3]  }
0x28: {  	s2 =	sld [smem:$0x3FA4]  }
0x29: {  	s4 =	sld [smem:$0x3FA6]  }
0x2a: {  	p0 =	seq.s32 s5, $0x0;
	s5 =	sld [smem:$0x3FA7]  }
0x2b: {  	s6 =	sld [smem:$0x3FA8]  }
0x2c: {  	s7 =	sld [smem:$0x3FA9]  }
0x2d: {  	s3 =	simm.s32 $0x108;
	s8 =	sld [smem:$0x3FAA]  }
0x2e: {  	s3 =	simm.s32 @!p0 $0x1082;
	s9 =	sld [smem:$0x3FAB]  }
0x2f: {  	lr =	sadd.s32 s0, s3;
	s0 =	sld [smem:$0x3FA2]  }
0x30: {  	s3 =	sld [smem:$0x3FA5]  }
0x31: {  	[smem:$0x3FAE] =	sst s10  }
0x32: {  	s10 =	sld [smem:$0x3FAC];
	_ =	sdelay $0x3  }
0x33: {  	p0 =	seq.s32 s10, $0x1;
	s10 =	sld [smem:$0x3FAE];
	_ =	sdelay $0x3  }
0x34: {  	[smem:$0x3FAE] =	sst s10  }
0x35: {  	s10 =	sld [smem:$0x3FAD];
	_ =	sdelay $0x3  }
0x36: {  	p1 =	seq.s32 s10, $0x1;
	s10 =	sld [smem:$0x3FAE];
	_ =	sdelay $0x3  }
0x37: {  	[smem:$0x3FAE] =	sst s10  }
0x38: {  	s10 =	sld [smem:$0x3FAF]  }
0x39: {  	_ = 	snop;
	(pc) =	sbr.ind lr, $3  }
0x3a: {  	_ = 	snop  }
0x3b: {  	_ = 	snop  }
0x3c: {  	p2 =	seq.s32 s10, $0x1;
	s10 =	sld [smem:$0x3FAE]  }
0x3d: {  	_ =	shalt  }
0x3e: {  	_ =	shalt  }
0x3f: {  	_ =	shalt  }
0x40: {  	_ =	shalt  }
0x41: {  	_ =	shalt  }
0x42: {  	_ =	shalt  }
0x43: {  	_ =	shalt  }
0x44: {  	_ =	shalt  }
0x45: {  	_ =	shalt  }
0x46: {  	_ =	shalt  }
0x47: {  	_ =	shalt  }
0x48: {  	_ =	shalt  }
0x49: {  	_ =	shalt  }
0x4a: {  	_ =	shalt  }
0x4b: {  	_ =	shalt  }
0x4c: {  	_ =	shalt  }
0x4d: {  	_ =	shalt  }
0x4e: {  	_ =	shalt  }
0x4f: {  	_ =	shalt  }
0x50: {  	_ =	shalt  }
0x51: {  	_ =	shalt  }
0x52: {  	_ =	shalt  }
0x53: {  	_ =	shalt  }
0x54: {  	_ =	shalt  }
0x55: {  	_ =	shalt  }
0x56: {  	_ =	shalt  }
0x57: {  	_ =	shalt  }
0x58: {  	_ =	shalt  }
0x59: {  	_ =	shalt  }
0x5a: {  	_ =	shalt  }
0x5b: {  	_ =	shalt  }
0x5c: {  	_ =	shalt  }
0x5d: {  	_ =	shalt  }
0x5e: {  	_ =	shalt  }
0x5f: {  	_ =	shalt  }
0x60: {  	_ =	shalt  }
0x61: {  	_ =	shalt  }
0x62: {  	_ =	shalt  }
0x63: {  	_ =	shalt  }
0x64: {  	_ =	shalt  }
0x65: {  	_ =	shalt  }
0x66: {  	_ =	shalt  }
0x67: {  	_ =	shalt  }
0x68: {  	_ =	shalt  }
0x69: {  	_ =	shalt  }
0x6a: {  	_ =	shalt  }
0x6b: {  	_ =	shalt  }
0x6c: {  	_ =	shalt  }
0x6d: {  	_ =	shalt  }
0x6e: {  	_ =	shalt  }
0x6f: {  	_ =	shalt  }
0x70: {  	_ =	shalt  }
0x71: {  	_ =	shalt  }
0x72: {  	_ =	shalt  }
0x73: {  	_ =	shalt  }
0x74: {  	_ =	shalt  }
0x75: {  	_ =	shalt  }
0x76: {  	_ =	shalt  }
0x77: {  	_ =	shalt  }
0x78: {  	_ =	shalt  }
0x79: {  	_ =	shalt  }
0x7a: {  	_ =	shalt  }
0x7b: {  	_ =	shalt  }
0x7c: {  	_ =	shalt  }
0x7d: {  	_ =	shalt  }
0x7e: {  	_ =	shalt  }
0x7f: {  	_ =	shalt  }
0x80: {  	_ =	shalt  }
0x81: {  	_ =	shalt  }
0x82: {  	_ =	shalt  }
0x83: {  	_ =	shalt  }
0x84: {  	_ =	shalt  }
0x85: {  	_ =	shalt  }
0x86: {  	_ =	shalt  }
0x87: {  	_ =	shalt  }
.Lfunc_end0:
.L_simem_size_0:
called_computation.1_lowered:
.L_overlay_start_0:
0x88: {  	s2 =	sld [smem:$0x3FD9]  }
0x89: {  	s3 =	sld [smem:$0x3FFE];
	_ =	sdelay $0x1  }
0x8a: {  	s1 =	srdreg.scid  }
0x8b: {  	s0 =	sand.u32 $0x1, s1  }
0x8c: {  	s15 =	sshll.u32 s0, $0xA;
	s2 =	sadd.s32 s3, s2  }
0x8d: {  	s2 =	sadd.s32 s2, s15  }
0x8e: {  	[smem:$0x3FBA] =	sst s2  }
0x8f: {  	_ = 	snop  }
0x90: {  	s16 =	sld [smem:$0x3FD0];
	_ =	sdelay $0x2  }
0x91: {  	s4 =	simm.s32 $0xB;
	s5 =	simm.s32 $0x10;
	s2 =	sld [smem:$0x3FC7]  }
0x92: {  	[smem:s5], [sflag:s4] =	dma.local [hbm:s16], $0x1  }
0x93: {  	_ =	swait.eq [sflag:s4], $0x1  }
0x94: {  	[sflag:s4] =	ssyncset.done $0x0  }
0x95: {  	[sflag:s4] =	ssyncadd.s32 $0xFFFFFFFF  }
0x96: {  	s17 =	sld [smem:$0x10];
	(tm) =	ssettm $0x1  }
0x97: {  	s18 =	sld [smem:$0x3FFB];
	_ =	sdelay $0x3  }
0x98: {  	_ =	strace s18  }
0x99: {  	s3 =	sld [smem:$0x3FFC];
	_ =	sdelay $0x3  }
0x9a: {  	_ =	strace s3  }
0x9b: {  	s3 =	sld [smem:$0x3FFD];
	_ =	sdelay $0x3  }
0x9c: {  	_ =	strace s3  }
0x9d: {  	_ =	strace $0x8FFFFFFF  }
0x9e: {  	s19 =	sld [smem:$0x3FDB];
	_ =	sdelay $0x1  }
0x9f: {  	s20 =	simm.s32 $_scs_section_size  }
0xa0: {  	s6 =	simm.s32 $_size__tile_overlayer_lowered;
	s7 =	simm.s32 $_tile_overlayer_lowered  }
0xa1: {  	s8 =	simm.s32 $0x1BFF;
	s21 =	sshll.u32 s7, $0x1;
	s5 =	sadd.s32 s20, s19  }
0xa2: {  	s22 =	simm.s32 $0x0;
	s6 =	sshll.u32 s6, $0x1;
	s7 =	sadd.s32 s21, s5  }
0xa3: {  	[timem:s22], [sflag:s8] =	dma.local [hbm:s7], s6  }
0xa4: {  	_ =	swait.ge [sflag:s8], s6  }
0xa5: {  	s6 =	ssub.s32 $0x0, s6;
	[sflag:s8] =	ssyncset.done $0x0  }
0xa6: {  	[sflag:s8] =	ssyncadd.s32 s6;
	_ =	sdelay $0x1  }
0xa7: {  	s23 =	simm.s32 $0x1B8B  }
0xa8: {  	_ =	swait.ge [sflag:s23], $0x1  }
0xa9: {  	[sflag:s23] =	ssyncset.done $0x0  }
0xaa: {  	[sflag:s23] =	ssyncadd.s32 $0xFFFFFFFF  }
0xab: {  	s6 =	sld [smem:$0x0]  }
0xac: {  	s7 =	sand.u32 $0xFFFFFFFE, s1  }
0xad: {  	p0 =	sne.s32 s1, s7  }
0xae: {  	s7 =	sshll.u32 @p0 s7, $0xE  }
0xaf: {  	s7 =	sadd.s32 @p0 $0x11B8D, s7;
	s8 =	sshll.u32 @p0 s6, $0x11  }
0xb0: {  	s7 =	sor.u32 @p0 s8, s7  }
0xb1: {  	[sflag:s7] =	ssyncadd.remote.s32 @p0 $0x1;
	_ =	sdelay $0x1  }
0xb2: {  	s7 =	simm.s32 @p0 $0x1B8D  }
0xb3: {  	_ =	swait.eq @p0 [sflag:s7], $0x1  }
0xb4: {  	[sflag:s7] =	ssyncadd.s32 @p0 $0xFFFFFFFF  }
0xb5: {  	s8 =	sshll.u32 @!p0 s1, $0xE  }
0xb6: {  	s8 =	sor.u32 @!p0 $0x4000, s8;
	s7 =	simm.s32 @!p0 $0x1B8D  }
0xb7: {  	s6 =	sshll.u32 @!p0 s6, $0x11;
	s8 =	sadd.s32 @!p0 $0x11B8D, s8;
	_ =	swait.eq @!p0 [sflag:s7], $0x1  }
0xb8: {  	s6 =	sor.u32 @!p0 s6, s8;
	[sflag:s7] =	ssyncadd.s32 @!p0 $0xFFFFFFFF  }
0xb9: {  	s25 =	simm.s32 $0x1B8E;
	s24 =	sld [smem:$0x3FFE];
	[sflag:s6] =	ssyncadd.remote.s32 @!p0 $0x1  }
0xba: {  	s26 =	simm.s32 $execute0_lowered;
	[smem:$0x3FD2] =	sst s25  }
0xbb: {  	s7 =	sshll.u32 s26, $0x1;
	_ =	strace $0x80000049;
	[dreg:$0x1] =	wrdreg $0xFFFFFFFF  }
0xbc: {  	s28 =	simm.s32 $_size_execute0_lowered;
	s5 =	sadd.s32 s5, s7;
	[dreg:$0x0] =	wrdreg $0x0  }
0xbd: {  	s7 =	sshll.u32 s28, $0x1;
	[dreg:$0x2] =	wrdreg s5  }
0xbe: {  	[dreg:$0x3] =	wrdreg s7  }
0xbf: {  	[dreg:$0x4] =	wrdreg $0xC0  }
0xc0: {  	_ =	task [dreg:s22], $0x5FFFF  }
0xc1: {  	[dreg:$0x1] =	wrdreg $0xFFFFFFFF  }
0xc2: {  	[dreg:$0x0] =	wrdreg $0x60  }
0xc3: {  	[dreg:$0x2] =	wrdreg s17  }
0xc4: {  	[dreg:$0x3] =	wrdreg s2  }
0xc5: {  	[dreg:$0x4] =	wrdreg s24  }
0xc6: {  	[dreg:$0x5] =	wrdreg $0xA  }
0xc7: {  	_ =	task.clear_ibuf [dreg:s22], $0x6FFFF;
	_ =	strace $0x90000049  }
0xc8: {  	s29 =	simm.s32 $0xA;
	_ =	strace $0x8000004B  }
0xc9: {  	_ =	swait.ge [sflag:s29], $0x1  }
0xca: {  	[sflag:s29] =	ssyncadd.s32 $0xFFFFFFFF  }
0xcb: {  	_ =	strace $0x9000004B  }
0xcc: {  	_ =	sfence  }
0xcd: {  	s30 =	sld [smem:$0x0];
	_ =	sdelay $0x2  }
0xce: {  	s31 =	sshll.u32 s1, $0xD;
	s1 =	sshrl.u32 s1, $0x2  }
0xcf: {  	s4 =	sand.u32 $0x4000, s31;
	s1 =	sadd.s32 s1, s30  }
0xd0: {  	s0 =	sor.u32 s4, s0;
	s1 =	sshll.u32 s1, $0x11  }
0xd1: {  	s0 =	sor.u32 s1, s0  }
0xd2: {  	s0 =	sadd.s32 $0x8F2B, s0  }
0xd3: {  	[sflag:s0] =	ssyncadd.remote.s32 $0x1  }
0xd4: {  	_ =	sfence.sel $0xFFFF  }
0xd5: {  	[dreg:$0x0] =	wrdreg $0xFFFFFFFF;
	(pc) =	sbr.abs _section_cstart, $3  }
0xd6: {  	[dreg:$0x1] =	wrdreg $0xFFFFFFFF  }
0xd7: {  	_ =	task.clear_ibuf [dreg:s22], $0x2FFFF;
	_ =	strace $0x9FFFFFFF  }
0xd8: {  	(tm) =	ssettm $0x7FFFFFFF  }
0xd9: {  	_ =	shalt  }
tec
execute0_lowered:
.L_overlay_start_1:
0x0: {  	(tag) =	ssettag $0x1  }
0x1: {  	s0 =	rddreg [dreg:$0x0]  }
0x2: {  	s1 =	rddreg [dreg:$0x1]  }
0x3: {  	s4 =	rddreg [dreg:$0x2];
	s3 =	simm.s32 $0x0;
	s5 =	srdreg.scid  }
0x4: {  	s2 =	stileid.u32;
	s10 =	simm.s32 $0x200;
	s11 =	simm.s32 $0xA00  }
0x5: {  	s12 =	simm.s32 $0x1200;
	s13 =	simm.s32 $0x1A00;
	s14 =	simm.s32 $0x2200  }
0x6: {  	s15 =	simm.s32 $0x2A00;
	s16 =	simm.s32 $0x3200;
	s17 =	simm.s32 $0x3A00  }
0x7: {  	s18 =	simm.s32 $0x4200;
	s19 =	simm.s32 $0x4A00;
	s20 =	simm.s32 $0x5200  }
0x8: {  	s21 =	simm.s32 $0x5A00;
	s22 =	simm.s32 $0x6200;
	s23 =	simm.s32 $0x6A00  }
0x9: {  	s28 =	simm.s32 $0x8A00;
	s29 =	simm.s32 $0x9200;
	s30 =	simm.s32 $0x9A00  }
0xa: {  	s31 =	simm.s32 $0x1;
	s5 =	sand.u32 $0x1, s5;
	s6 =	sshll.u32 s2, $0x1  }
0xb: {  	[smem:$0x7FF] =	sst s3;
	s7 =	sadd.s32 $0x52E00, s4;
	s6 =	sor.u32 s5, s6  }
0xc: {  	_ =	strace $0x8000004A;
	s24 =	ssub.s32 $0x2, s5;
	s25 =	smul.u32 $0x14000, s6  }
0xd: {  	s8 =	sshrl.u32 s24, $0x1;
	s9 =	sshll.u32 s6, $0x6;
	s6 =	smul.u32 $0x2800, s6  }
0xe: {  	s8 =	ssub.s32 s24, s8;
	s0 =	sadd.s32 s0, s9;
	s9 =	simm.s32 $0x3  }
0xf: {  	s24 =	simm.s32 $0x7200;
	s5 =	sshrl.u32 s25, $0x3;
	[dreg:$0x4] =	wrdreg s0  }
0x10: {  	v2 =	vlaneseq.u32;
	s4 =	sadd.s32 s7, s6;
	s8 =	smax.u32 s8, $0x1;
	s26 =	sadd.s32 s7, s5  }
0x11: {  	vm0 =	vmmov $0xffff;
	v1 =	vshrl.u32 v2, $0x3;
	s25 =	simm.s32 $0x7A00;
	s0 =	simm.s32 $0x2;
	s5 =	sadd.s32 $0xA00, s26  }
0x12: {  	v0 =	vand.u32 $0x7, v2;
	v2 =	vor.u32 $0x8, v2;
	v1 =	vmul.u32 $0x8, v1;
	s6 =	sadd.s32 $0x1400, s26;
	s7 =	sadd.s32 $0x1E00, s26;
	s26 =	simm.s32 $0x8200  }
.LBB2_1:
0x13: {  	s2 =	rddreg [dreg:$0x4]  }
0x14: {  	[tilespmem:s3], [sflag:$0x3] =	stream.linear.gather [hbm4b:s2+s3], $0x200, $0x38;
	[tilespmem:$0xA200] =	vst v63  }
0x15: {  	_ =	swait.ge [sflag:s9], $0x200  }
0x16: {  	[sflag:s9] =	ssyncset.done $0x0  }
0x17: {  	[sflag:s9] =	ssyncadd.s32 $0xFFFFFE00  }
0x18: {  	v3 =	vld [tilespmem:$0x0];
	_ =	sdelay $0x4  }
0x19: {  	v4 =	vshll.u32 v3, $0x1  }
0x1a: {  	v3 =	vand.u32 $0x7, v3;
	v4 =	vand.u32 $0xFFFFFFF0, v4  }
0x1b: {  	v3 =	vor.u32 v3, v4  }
0x1c: {  	v4 =	vperm.xlane v3, v0;
	_ =	sdelay $0x1  }
0x1d: {  	v3 =	vperm.xlane v3, v2;
	v4 =	vadd.s32 v1, v4;
	_ =	sdelay $0x1  }
0x1e: {  	v3 =	vadd.s32 v1, v3;
	_ =	sdelay $0x2  }
0x1f: {  	[tilespmem:s10], [sflag:$0x1] =	stream.indirect_vreg.gather [hbm4b:s1+s3], $0x80, v4, vm0, $0xb8;
	[tilespmem:$0xA200] =	vst v63  }
0x20: {  	_ = 	snop  }
0x21: {  	[tilespmem:s11], [sflag:$0x1] =	stream.indirect_vreg.gather [hbm4b:s1+s3], $0x80, v3, vm0, $0xb8;
	[tilespmem:$0xA200] =	vst v63  }
0x22: {  	v3 =	vld [tilespmem:$0x10];
	_ =	sdelay $0x4  }
0x23: {  	v45 =	vshll.u32 v3, $0x1  }
0x24: {  	v3 =	vand.u32 $0x7, v3;
	v4 =	vand.u32 $0xFFFFFFF0, v45  }
0x25: {  	v3 =	vor.u32 v3, v4  }
0x26: {  	v4 =	vperm.xlane v3, v0;
	_ =	sdelay $0x1  }
0x27: {  	v3 =	vperm.xlane v3, v2;
	v4 =	vadd.s32 v1, v4;
	_ =	sdelay $0x1  }
0x28: {  	v3 =	vadd.s32 v1, v3;
	_ =	sdelay $0x2  }
0x29: {  	[tilespmem:s12], [sflag:$0x1] =	stream.indirect_vreg.gather [hbm4b:s1+s3], $0x80, v4, vm0, $0xb8;
	[tilespmem:$0xA200] =	vst v63  }
0x2a: {  	_ = 	snop  }
0x2b: {  	[tilespmem:s13], [sflag:$0x1] =	stream.indirect_vreg.gather [hbm4b:s1+s3], $0x80, v3, vm0, $0xb8;
	[tilespmem:$0xA200] =	vst v63  }
0x2c: {  	v3 =	vld [tilespmem:$0x20];
	_ =	sdelay $0x4  }
0x2d: {  	v46 =	vshll.u32 v3, $0x1  }
0x2e: {  	v3 =	vand.u32 $0x7, v3;
	v4 =	vand.u32 $0xFFFFFFF0, v46  }
0x2f: {  	v3 =	vor.u32 v3, v4  }
0x30: {  	v4 =	vperm.xlane v3, v0;
	_ =	sdelay $0x1  }
0x31: {  	v3 =	vperm.xlane v3, v2;
	v4 =	vadd.s32 v1, v4;
	_ =	sdelay $0x1  }
0x32: {  	v3 =	vadd.s32 v1, v3;
	_ =	sdelay $0x2  }
0x33: {  	[tilespmem:s14], [sflag:$0x1] =	stream.indirect_vreg.gather [hbm4b:s1+s3], $0x80, v4, vm0, $0xb8;
	[tilespmem:$0xA200] =	vst v63  }
0x34: {  	_ = 	snop  }
0x35: {  	[tilespmem:s15], [sflag:$0x1] =	stream.indirect_vreg.gather [hbm4b:s1+s3], $0x80, v3, vm0, $0xb8;
	[tilespmem:$0xA200] =	vst v63  }
0x36: {  	v3 =	vld [tilespmem:$0x30];
	_ =	sdelay $0x4  }
0x37: {  	v47 =	vshll.u32 v3, $0x1  }
0x38: {  	v3 =	vand.u32 $0x7, v3;
	v4 =	vand.u32 $0xFFFFFFF0, v47  }
0x39: {  	v3 =	vor.u32 v3, v4  }
0x3a: {  	v4 =	vperm.xlane v3, v0;
	_ =	sdelay $0x1  }
0x3b: {  	v3 =	vperm.xlane v3, v2;
	v4 =	vadd.s32 v1, v4;
	_ =	sdelay $0x1  }
0x3c: {  	v3 =	vadd.s32 v1, v3;
	_ =	sdelay $0x2  }
0x3d: {  	[tilespmem:s16], [sflag:$0x1] =	stream.indirect_vreg.gather [hbm4b:s1+s3], $0x80, v4, vm0, $0xb8;
	[tilespmem:$0xA200] =	vst v63  }
0x3e: {  	_ = 	snop  }
0x3f: {  	[tilespmem:s17], [sflag:$0x1] =	stream.indirect_vreg.gather [hbm4b:s1+s3], $0x80, v3, vm0, $0xb8;
	[tilespmem:$0xA200] =	vst v63  }
0x40: {  	v3 =	vld [tilespmem:$0x40];
	_ =	sdelay $0x4  }
0x41: {  	v48 =	vshll.u32 v3, $0x1  }
0x42: {  	v3 =	vand.u32 $0x7, v3;
	v4 =	vand.u32 $0xFFFFFFF0, v48  }
0x43: {  	v3 =	vor.u32 v3, v4  }
0x44: {  	v4 =	vperm.xlane v3, v0;
	_ =	sdelay $0x1  }
0x45: {  	v3 =	vperm.xlane v3, v2;
	v4 =	vadd.s32 v1, v4;
	_ =	sdelay $0x1  }
0x46: {  	v3 =	vadd.s32 v1, v3;
	_ =	sdelay $0x2  }
0x47: {  	[tilespmem:s18], [sflag:$0x1] =	stream.indirect_vreg.gather [hbm4b:s1+s3], $0x80, v4, vm0, $0xb8;
	[tilespmem:$0xA200] =	vst v63  }
0x48: {  	_ = 	snop  }
0x49: {  	[tilespmem:s19], [sflag:$0x1] =	stream.indirect_vreg.gather [hbm4b:s1+s3], $0x80, v3, vm0, $0xb8;
	[tilespmem:$0xA200] =	vst v63  }
0x4a: {  	v3 =	vld [tilespmem:$0x80];
	_ =	sdelay $0x4  }
0x4b: {  	v49 =	vshll.u32 v3, $0x1  }
0x4c: {  	v3 =	vand.u32 $0x7, v3;
	v4 =	vand.u32 $0xFFFFFFF0, v49  }
0x4d: {  	v3 =	vor.u32 v3, v4  }
0x4e: {  	v4 =	vperm.xlane v3, v0;
	_ =	sdelay $0x1  }
0x4f: {  	v3 =	vperm.xlane v3, v2;
	v4 =	vadd.s32 v1, v4;
	_ =	sdelay $0x1  }
0x50: {  	v3 =	vadd.s32 v1, v3;
	_ =	sdelay $0x2  }
0x51: {  	[tilespmem:s20], [sflag:$0x2] =	stream.indirect_vreg.gather [hbm4b:s1+s3], $0x80, v4, vm0, $0xb8;
	[tilespmem:$0xA200] =	vst v63  }
0x52: {  	_ = 	snop  }
0x53: {  	[tilespmem:s21], [sflag:$0x2] =	stream.indirect_vreg.gather [hbm4b:s1+s3], $0x80, v3, vm0, $0xb8;
	[tilespmem:$0xA200] =	vst v63  }
0x54: {  	v3 =	vld [tilespmem:$0x90];
	_ =	sdelay $0x4  }
0x55: {  	v50 =	vshll.u32 v3, $0x1  }
0x56: {  	v3 =	vand.u32 $0x7, v3;
	v4 =	vand.u32 $0xFFFFFFF0, v50  }
0x57: {  	v3 =	vor.u32 v3, v4  }
0x58: {  	v4 =	vperm.xlane v3, v0;
	_ =	sdelay $0x1  }
0x59: {  	v3 =	vperm.xlane v3, v2;
	v4 =	vadd.s32 v1, v4;
	_ =	sdelay $0x1  }
0x5a: {  	v3 =	vadd.s32 v1, v3;
	_ =	sdelay $0x2  }
0x5b: {  	[tilespmem:s22], [sflag:$0x2] =	stream.indirect_vreg.gather [hbm4b:s1+s3], $0x80, v4, vm0, $0xb8;
	[tilespmem:$0xA200] =	vst v63  }
0x5c: {  	_ = 	snop  }
0x5d: {  	[tilespmem:s23], [sflag:$0x2] =	stream.indirect_vreg.gather [hbm4b:s1+s3], $0x80, v3, vm0, $0xb8;
	[tilespmem:$0xA200] =	vst v63  }
0x5e: {  	v3 =	vld [tilespmem:$0xA0];
	_ =	sdelay $0x4  }
0x5f: {  	v51 =	vshll.u32 v3, $0x1  }
0x60: {  	v3 =	vand.u32 $0x7, v3;
	v4 =	vand.u32 $0xFFFFFFF0, v51  }
0x61: {  	v3 =	vor.u32 v3, v4  }
0x62: {  	v4 =	vperm.xlane v3, v0;
	_ =	sdelay $0x1  }
0x63: {  	v3 =	vperm.xlane v3, v2;
	v4 =	vadd.s32 v1, v4;
	_ =	sdelay $0x1  }
0x64: {  	v3 =	vadd.s32 v1, v3;
	_ =	sdelay $0x2  }
0x65: {  	[tilespmem:s24], [sflag:$0x2] =	stream.indirect_vreg.gather [hbm4b:s1+s3], $0x80, v4, vm0, $0xb8;
	[tilespmem:$0xA200] =	vst v63  }
0x66: {  	_ = 	snop  }
0x67: {  	[tilespmem:s25], [sflag:$0x2] =	stream.indirect_vreg.gather [hbm4b:s1+s3], $0x80, v3, vm0, $0xb8;
	[tilespmem:$0xA200] =	vst v63  }
0x68: {  	v3 =	vld [tilespmem:$0xB0];
	_ =	sdelay $0x4  }
0x69: {  	v52 =	vshll.u32 v3, $0x1  }
0x6a: {  	v3 =	vand.u32 $0x7, v3;
	v4 =	vand.u32 $0xFFFFFFF0, v52  }
0x6b: {  	v3 =	vor.u32 v3, v4  }
0x6c: {  	v4 =	vperm.xlane v3, v0;
	_ =	sdelay $0x1  }
0x6d: {  	v3 =	vperm.xlane v3, v2;
	v4 =	vadd.s32 v1, v4;
	_ =	sdelay $0x1  }
0x6e: {  	v3 =	vadd.s32 v1, v3;
	_ =	sdelay $0x2  }
0x6f: {  	[tilespmem:s26], [sflag:$0x2] =	stream.indirect_vreg.gather [hbm4b:s1+s3], $0x80, v4, vm0, $0xb8;
	[tilespmem:$0xA200] =	vst v63  }
0x70: {  	_ = 	snop  }
0x71: {  	[tilespmem:s28], [sflag:$0x2] =	stream.indirect_vreg.gather [hbm4b:s1+s3], $0x80, v3, vm0, $0xb8;
	[tilespmem:$0xA200] =	vst v63  }
0x72: {  	v3 =	vld [tilespmem:$0xC0];
	_ =	sdelay $0x4  }
0x73: {  	v53 =	vshll.u32 v3, $0x1  }
0x74: {  	v3 =	vand.u32 $0x7, v3;
	v4 =	vand.u32 $0xFFFFFFF0, v53  }
0x75: {  	v3 =	vor.u32 v3, v4  }
0x76: {  	v4 =	vperm.xlane v3, v0;
	_ =	sdelay $0x1  }
0x77: {  	v3 =	vperm.xlane v3, v2;
	v4 =	vadd.s32 v1, v4;
	_ =	sdelay $0x1  }
0x78: {  	v3 =	vadd.s32 v1, v3;
	_ =	sdelay $0x2  }
0x79: {  	[tilespmem:s29], [sflag:$0x2] =	stream.indirect_vreg.gather [hbm4b:s1+s3], $0x80, v4, vm0, $0xb8;
	[tilespmem:$0xA200] =	vst v63  }
0x7a: {  	_ = 	snop  }
0x7b: {  	[tilespmem:s30], [sflag:$0x2] =	stream.indirect_vreg.gather [hbm4b:s1+s3], $0x80, v3, vm0, $0xb8;
	[tilespmem:$0xA200] =	vst v63  }
0x7c: {  	_ =	swait.ge [sflag:s31], $0x5000  }
0x7d: {  	[sflag:s31] =	ssyncset.done $0x0  }
0x7e: {  	[sflag:s31] =	ssyncadd.s32 $0xFFFFB000  }
0x7f: {  	[hbm4b:s4+s3] =	stream.linear.scatter [tilespmem:s10], [sflag:$0x3], $0x5000, $0x38;
	[tilespmem:$0xA200] =	vst v63  }
0x80: {  	_ =	swait.ge [sflag:s9], $0x5000  }
0x81: {  	[sflag:s9] =	ssyncset.done $0x0  }
0x82: {  	[sflag:s9] =	ssyncadd.s32 $0xFFFFB000  }
0x83: {  	v3 =	vld [tilespmem:$0x100];
	_ =	sdelay $0x4  }
0x84: {  	v54 =	vshll.u32 v3, $0x1  }
0x85: {  	v3 =	vand.u32 $0x7, v3;
	v4 =	vand.u32 $0xFFFFFFF0, v54  }
0x86: {  	v3 =	vor.u32 v3, v4  }
0x87: {  	v4 =	vperm.xlane v3, v0;
	_ =	sdelay $0x1  }
0x88: {  	v3 =	vperm.xlane v3, v2;
	v4 =	vadd.s32 v1, v4;
	_ =	sdelay $0x1  }
0x89: {  	v3 =	vadd.s32 v1, v3;
	_ =	sdelay $0x2  }
0x8a: {  	[tilespmem:s10], [sflag:$0x1] =	stream.indirect_vreg.gather [hbm4b:s1+s3], $0x80, v4, vm0, $0xb8;
	[tilespmem:$0xA200] =	vst v63  }
0x8b: {  	_ = 	snop  }
0x8c: {  	[tilespmem:s11], [sflag:$0x1] =	stream.indirect_vreg.gather [hbm4b:s1+s3], $0x80, v3, vm0, $0xb8;
	[tilespmem:$0xA200] =	vst v63  }
0x8d: {  	v3 =	vld [tilespmem:$0x110];
	_ =	sdelay $0x4  }
0x8e: {  	v55 =	vshll.u32 v3, $0x1  }
0x8f: {  	v3 =	vand.u32 $0x7, v3;
	v4 =	vand.u32 $0xFFFFFFF0, v55  }
0x90: {  	v3 =	vor.u32 v3, v4  }
0x91: {  	v4 =	vperm.xlane v3, v0;
	_ =	sdelay $0x1  }
0x92: {  	v3 =	vperm.xlane v3, v2;
	v4 =	vadd.s32 v1, v4;
	_ =	sdelay $0x1  }
0x93: {  	v3 =	vadd.s32 v1, v3;
	_ =	sdelay $0x2  }
0x94: {  	[tilespmem:s12], [sflag:$0x1] =	stream.indirect_vreg.gather [hbm4b:s1+s3], $0x80, v4, vm0, $0xb8;
	[tilespmem:$0xA200] =	vst v63  }
0x95: {  	_ = 	snop  }
0x96: {  	[tilespmem:s13], [sflag:$0x1] =	stream.indirect_vreg.gather [hbm4b:s1+s3], $0x80, v3, vm0, $0xb8;
	[tilespmem:$0xA200] =	vst v63  }
0x97: {  	v3 =	vld [tilespmem:$0x120];
	_ =	sdelay $0x4  }
0x98: {  	v56 =	vshll.u32 v3, $0x1  }
0x99: {  	v3 =	vand.u32 $0x7, v3;
	v4 =	vand.u32 $0xFFFFFFF0, v56  }
0x9a: {  	v3 =	vor.u32 v3, v4  }
0x9b: {  	v4 =	vperm.xlane v3, v0;
	_ =	sdelay $0x1  }
0x9c: {  	v3 =	vperm.xlane v3, v2;
	v4 =	vadd.s32 v1, v4;
	_ =	sdelay $0x1  }
0x9d: {  	v3 =	vadd.s32 v1, v3;
	_ =	sdelay $0x2  }
0x9e: {  	[tilespmem:s14], [sflag:$0x1] =	stream.indirect_vreg.gather [hbm4b:s1+s3], $0x80, v4, vm0, $0xb8;
	[tilespmem:$0xA200] =	vst v63  }
0x9f: {  	_ = 	snop  }
0xa0: {  	[tilespmem:s15], [sflag:$0x1] =	stream.indirect_vreg.gather [hbm4b:s1+s3], $0x80, v3, vm0, $0xb8;
	[tilespmem:$0xA200] =	vst v63  }
0xa1: {  	v3 =	vld [tilespmem:$0x130];
	_ =	sdelay $0x4  }
0xa2: {  	v57 =	vshll.u32 v3, $0x1  }
0xa3: {  	v3 =	vand.u32 $0x7, v3;
	v4 =	vand.u32 $0xFFFFFFF0, v57  }
0xa4: {  	v3 =	vor.u32 v3, v4  }
0xa5: {  	v4 =	vperm.xlane v3, v0;
	_ =	sdelay $0x1  }
0xa6: {  	v3 =	vperm.xlane v3, v2;
	v4 =	vadd.s32 v1, v4;
	_ =	sdelay $0x1  }
0xa7: {  	v3 =	vadd.s32 v1, v3;
	_ =	sdelay $0x2  }
0xa8: {  	[tilespmem:s16], [sflag:$0x1] =	stream.indirect_vreg.gather [hbm4b:s1+s3], $0x80, v4, vm0, $0xb8;
	[tilespmem:$0xA200] =	vst v63  }
0xa9: {  	_ = 	snop  }
0xaa: {  	[tilespmem:s17], [sflag:$0x1] =	stream.indirect_vreg.gather [hbm4b:s1+s3], $0x80, v3, vm0, $0xb8;
	[tilespmem:$0xA200] =	vst v63  }
0xab: {  	v3 =	vld [tilespmem:$0x140];
	_ =	sdelay $0x4  }
0xac: {  	v58 =	vshll.u32 v3, $0x1  }
0xad: {  	v3 =	vand.u32 $0x7, v3;
	v4 =	vand.u32 $0xFFFFFFF0, v58  }
0xae: {  	v3 =	vor.u32 v3, v4  }
0xaf: {  	v4 =	vperm.xlane v3, v0;
	_ =	sdelay $0x1  }
0xb0: {  	v3 =	vperm.xlane v3, v2;
	v4 =	vadd.s32 v1, v4;
	_ =	sdelay $0x1  }
0xb1: {  	v3 =	vadd.s32 v1, v3;
	_ =	sdelay $0x2  }
0xb2: {  	[tilespmem:s18], [sflag:$0x1] =	stream.indirect_vreg.gather [hbm4b:s1+s3], $0x80, v4, vm0, $0xb8;
	[tilespmem:$0xA200] =	vst v63  }
0xb3: {  	_ = 	snop  }
0xb4: {  	[tilespmem:s19], [sflag:$0x1] =	stream.indirect_vreg.gather [hbm4b:s1+s3], $0x80, v3, vm0, $0xb8;
	[tilespmem:$0xA200] =	vst v63  }
0xb5: {  	_ =	swait.ge [sflag:s0], $0x5000  }
0xb6: {  	[sflag:s0] =	ssyncset.done $0x0  }
0xb7: {  	[sflag:s0] =	ssyncadd.s32 $0xFFFFB000  }
0xb8: {  	[hbm4b:s5+s3] =	stream.linear.scatter [tilespmem:s20], [sflag:$0x3], $0x5000, $0x38;
	[tilespmem:$0xA200] =	vst v63  }
0xb9: {  	_ =	swait.ge [sflag:s9], $0x5000  }
0xba: {  	[sflag:s9] =	ssyncset.done $0x0  }
0xbb: {  	[sflag:s9] =	ssyncadd.s32 $0xFFFFB000  }
0xbc: {  	v3 =	vld [tilespmem:$0x180];
	_ =	sdelay $0x4  }
0xbd: {  	v59 =	vshll.u32 v3, $0x1  }
0xbe: {  	v3 =	vand.u32 $0x7, v3;
	v4 =	vand.u32 $0xFFFFFFF0, v59  }
0xbf: {  	v3 =	vor.u32 v3, v4  }
0xc0: {  	v4 =	vperm.xlane v3, v0;
	_ =	sdelay $0x1  }
0xc1: {  	v3 =	vperm.xlane v3, v2;
	v4 =	vadd.s32 v1, v4;
	_ =	sdelay $0x1  }
0xc2: {  	v3 =	vadd.s32 v1, v3;
	_ =	sdelay $0x2  }
0xc3: {  	[tilespmem:s20], [sflag:$0x2] =	stream.indirect_vreg.gather [hbm4b:s1+s3], $0x80, v4, vm0, $0xb8;
	[tilespmem:$0xA200] =	vst v63  }
0xc4: {  	_ = 	snop  }
0xc5: {  	[tilespmem:s21], [sflag:$0x2] =	stream.indirect_vreg.gather [hbm4b:s1+s3], $0x80, v3, vm0, $0xb8;
	[tilespmem:$0xA200] =	vst v63  }
0xc6: {  	v3 =	vld [tilespmem:$0x190];
	_ =	sdelay $0x4  }
0xc7: {  	v60 =	vshll.u32 v3, $0x1  }
0xc8: {  	v3 =	vand.u32 $0x7, v3;
	v4 =	vand.u32 $0xFFFFFFF0, v60  }
0xc9: {  	v3 =	vor.u32 v3, v4  }
0xca: {  	v4 =	vperm.xlane v3, v0;
	_ =	sdelay $0x1  }
0xcb: {  	v3 =	vperm.xlane v3, v2;
	v4 =	vadd.s32 v1, v4;
	_ =	sdelay $0x1  }
0xcc: {  	v3 =	vadd.s32 v1, v3;
	_ =	sdelay $0x2  }
0xcd: {  	[tilespmem:s22], [sflag:$0x2] =	stream.indirect_vreg.gather [hbm4b:s1+s3], $0x80, v4, vm0, $0xb8;
	[tilespmem:$0xA200] =	vst v63  }
0xce: {  	_ = 	snop  }
0xcf: {  	[tilespmem:s23], [sflag:$0x2] =	stream.indirect_vreg.gather [hbm4b:s1+s3], $0x80, v3, vm0, $0xb8;
	[tilespmem:$0xA200] =	vst v63  }
0xd0: {  	v3 =	vld [tilespmem:$0x1A0];
	_ =	sdelay $0x4  }
0xd1: {  	v61 =	vshll.u32 v3, $0x1  }
0xd2: {  	v3 =	vand.u32 $0x7, v3;
	v4 =	vand.u32 $0xFFFFFFF0, v61  }
0xd3: {  	v3 =	vor.u32 v3, v4  }
0xd4: {  	v4 =	vperm.xlane v3, v0;
	_ =	sdelay $0x1  }
0xd5: {  	v3 =	vperm.xlane v3, v2;
	v4 =	vadd.s32 v1, v4;
	_ =	sdelay $0x1  }
0xd6: {  	v3 =	vadd.s32 v1, v3;
	_ =	sdelay $0x2  }
0xd7: {  	[tilespmem:s24], [sflag:$0x2] =	stream.indirect_vreg.gather [hbm4b:s1+s3], $0x80, v4, vm0, $0xb8;
	[tilespmem:$0xA200] =	vst v63  }
0xd8: {  	_ = 	snop  }
0xd9: {  	[tilespmem:s25], [sflag:$0x2] =	stream.indirect_vreg.gather [hbm4b:s1+s3], $0x80, v3, vm0, $0xb8;
	[tilespmem:$0xA200] =	vst v63  }
0xda: {  	v3 =	vld [tilespmem:$0x1B0];
	_ =	sdelay $0x4  }
0xdb: {  	v62 =	vshll.u32 v3, $0x1  }
0xdc: {  	v3 =	vand.u32 $0x7, v3;
	v4 =	vand.u32 $0xFFFFFFF0, v62  }
0xdd: {  	v3 =	vor.u32 v3, v4  }
0xde: {  	v4 =	vperm.xlane v3, v0;
	_ =	sdelay $0x1  }
0xdf: {  	v3 =	vperm.xlane v3, v2;
	v4 =	vadd.s32 v1, v4;
	_ =	sdelay $0x1  }
0xe0: {  	v3 =	vadd.s32 v1, v3;
	_ =	sdelay $0x2  }
0xe1: {  	[tilespmem:s26], [sflag:$0x2] =	stream.indirect_vreg.gather [hbm4b:s1+s3], $0x80, v4, vm0, $0xb8;
	[tilespmem:$0xA200] =	vst v63  }
0xe2: {  	_ = 	snop  }
0xe3: {  	[tilespmem:s28], [sflag:$0x2] =	stream.indirect_vreg.gather [hbm4b:s1+s3], $0x80, v3, vm0, $0xb8;
	[tilespmem:$0xA200] =	vst v63  }
0xe4: {  	v3 =	vld [tilespmem:$0x1C0];
	_ =	sdelay $0x4  }
0xe5: {  	v63 =	vshll.u32 v3, $0x1  }
0xe6: {  	v3 =	vand.u32 $0x7, v3;
	v4 =	vand.u32 $0xFFFFFFF0, v63  }
0xe7: {  	v3 =	vor.u32 v3, v4  }
0xe8: {  	v4 =	vperm.xlane v3, v0;
	_ =	sdelay $0x1  }
0xe9: {  	v3 =	vperm.xlane v3, v2;
	v4 =	vadd.s32 v1, v4;
	_ =	sdelay $0x1  }
0xea: {  	v3 =	vadd.s32 v1, v3;
	_ =	sdelay $0x2  }
0xeb: {  	[tilespmem:s29], [sflag:$0x2] =	stream.indirect_vreg.gather [hbm4b:s1+s3], $0x80, v4, vm0, $0xb8;
	[tilespmem:$0xA200] =	vst v63  }
0xec: {  	_ = 	snop  }
0xed: {  	[tilespmem:s30], [sflag:$0x2] =	stream.indirect_vreg.gather [hbm4b:s1+s3], $0x80, v3, vm0, $0xb8;
	[tilespmem:$0xA200] =	vst v63  }
0xee: {  	_ =	swait.ge [sflag:s31], $0x5000  }
0xef: {  	[sflag:s31] =	ssyncset.done $0x0  }
0xf0: {  	[sflag:s31] =	ssyncadd.s32 $0xFFFFB000  }
0xf1: {  	[hbm4b:s6+s3] =	stream.linear.scatter [tilespmem:s10], [sflag:$0x3], $0x5000, $0x38;
	[tilespmem:$0xA200] =	vst v63  }
0xf2: {  	_ =	swait.ge [sflag:s9], $0x5000  }
0xf3: {  	[sflag:s9] =	ssyncset.done $0x0  }
0xf4: {  	[sflag:s9] =	ssyncadd.s32 $0xFFFFB000  }
0xf5: {  	_ =	swait.ge [sflag:s0], $0x5000  }
0xf6: {  	p0 =	sne.s32 s8, $0x1;
	[sflag:s0] =	ssyncset.done $0x0  }
.Ltmp0:
0xf7: {  	[sflag:s0] =	ssyncadd.s32 $0xFFFFB000;
	(pc) =	sbr.rel @p0 .LBB2_1-.Ltmp0, $4  }
0xf8: {  	[hbm4b:s7+s3] =	stream.linear.scatter [tilespmem:s20], [sflag:$0x3], $0x5000, $0x38;
	[tilespmem:$0xA200] =	vst v63  }
0xf9: {  	_ =	swait.ge [sflag:s9], $0x5000  }
0xfa: {  	[sflag:s9] =	ssyncset.done $0x0  }
0xfb: {  	s8 =	sadd.s32 $0xFFFFFFFF, s8;
	[sflag:s9] =	ssyncadd.s32 $0xFFFFB000  }
0xfc: {  	_ =	sfence.sel $0x180000  }
0xfd: {  	[bflag:$0x0] =	sbarrier.arrive $0xFFFF  }
0xfe: {  	_ =	strace $0x9000004A  }
0xff: {  	s0 =	stileid.u32;
	[bflag:$0x2] =	sbarrier.arrive $0xFFFF  }
0x100: {  	p0 =	sne.s32 s0, $0x0;
	s0 =	rddreg [dreg:$0x3]  }
0x101: {  	s0 =	sadd.s32 @!p0 $0x100000, s0  }
0x102: {  	[sflag:s0] =	ssyncadd.tile.s32 @!p0 $0x1;
	_ =	shalt  }
.Lfunc_end2:
_tile_overlayer_lowered:
.L_overlay_start_2:
0x103: {  	(tag) =	ssettag $0x2  }
0x104: {  	s0 =	rddreg [dreg:$0x0];
	s2 =	stileid.u32  }
0x105: {  	s1 =	rddreg [dreg:$0x1];
	p0 =	sne.s32 s2, $0x0  }
0x106: {  	s3 =	rddreg [dreg:$0x2];
	[bflag:$0x3] =	sbarrier.arrive $0xFFFF;
	s2 =	simm.s32 @!p0 $0x1C03  }
0x107: {  	[timem:s3], [sflag:s2] =	dma.local @!p0 [hbm:s0], s1  }
0x108: {  	s0 =	simm.s32 @!p0 $0x3  }
0x109: {  	_ =	swait.ge @!p0 [sflag:s0], s1  }
0x10a: {  	s1 =	ssub.s32 @!p0 $0x0, s1;
	[sflag:s0] =	ssyncset.done @!p0 $0x0  }
0x10b: {  	[sflag:s0] =	ssyncadd.s32 @!p0 s1  }
0x10c: {  	[bflag:$0x3] =	sbarrier.arrive $0xFFFF  }
0x10d: {  	_ =	shalt  }

// kernel: kernel.7.cloned.1.call-start
scs
__scs_entry_jumppad:
0x0: {  	(pc) =	sbr.rel $0x88, $3  }
0x1: {  	(tag) =	ssettag $0x0;
	lr =	simm.s32 $0x1  }
0x2: {  	[smem:$0x3F93] =	sst lr;
	_ =	strace $0xD0000000  }
0x3: {  	_ = 	snop  }
0x4: {  	_ = 	snop  }
0x5: {  	_ = 	snop  }
0x6: {  	_ = 	snop  }
0x7: {  	_ = 	snop  }
__scs_overlays_trampoline_lowered:
0x8: {  	[smem:$0x3FA2] =	sst s0  }
0x9: {  	[smem:$0x3FA3] =	sst s1  }
0xa: {  	[smem:$0x3FA4] =	sst s2  }
0xb: {  	[smem:$0x3FA5] =	sst s3  }
0xc: {  	[smem:$0x3FA6] =	sst s4  }
0xd: {  	[smem:$0x3FA7] =	sst s5  }
0xe: {  	[smem:$0x3FA8] =	sst s6  }
0xf: {  	[smem:$0x3FA9] =	sst s7  }
0x10: {  	[smem:$0x3FAA] =	sst s8  }
0x11: {  	[smem:$0x3FAB] =	sst s9;
	s0 =	simm.s32 @!p0 $0x0  }
0x12: {  	s1 =	sld [smem:$0x3F91];
	s0 =	simm.s32 @p0 $0x1  }
0x13: {  	[smem:$0x3FAC] =	sst s0;
	s0 =	simm.s32 @!p1 $0x0  }
0x14: {  	s2 =	sld [smem:$0x3F90];
	s0 =	simm.s32 @p1 $0x1  }
0x15: {  	[smem:$0x3FAD] =	sst s0;
	s0 =	simm.s32 @!p2 $0x0  }
0x16: {  	s3 =	sld [smem:$0x3FDB];
	s0 =	simm.s32 @p2 $0x1  }
0x17: {  	s4 =	simm.s32 $0x1BF5;
	[smem:$0x3FAF] =	sst s0  }
0x18: {  	s0 =	sld [smem:$0x3F92];
	_ =	swait.ge [sflag:s4], $0x0  }
0x19: {  	s7 =	sld [smem:$0x3F93]  }
0x1a: {  	s8 =	sadd.s32 $0xFFFFE003, lr  }
0x1b: {  	s9 =	sadd.s32 $0xFFFFFEF7, lr;
	s5 =	simm.s32 $0xFFFFFFFF;
	p2 =	slt.u32 s8, $0xFFFFF086  }
0x1c: {  	p1 =	slt.u32 s9, $0xF7A;
	s5 =	simm.s32 @!p2 $0x0  }
0x1d: {  	s5 =	simm.s32 @p1 $0x1;
	p0 =	seq.s32 s7, s2  }
0x1e: {  	s7 =	smul.u32 @!p0 $0xF7A, s2;
	p2 =	seq.s32 @!p0 s5, $0x0  }
0x1f: {  	s9 =	smul.u32 $0xF7A, s1;
	s8 =	simm.s32 @!p0 $0x1BF5;
	p2 =	por !p2, p0  }
0x20: {  	[sflag:s8] =	ssyncset.s32 @!p0 $0xFFFFF086;
	s6 =	sadd.s32 @!p0 s3, s7;
	s7 =	simm.s32 @!p0 $0x108  }
0x21: {  	s3 =	sadd.s32 s3, s9;
	s6 =	sadd.s32 @!p0 $0x88, s6;
	s7 =	simm.s32 @p2 $0x1082  }
0x22: {  	[simem:s7], [sflag:s8] =	dma.local @!p0 [hbm:s6], $0xF7A  }
0x23: {  	s9 =	sor.u32 $0xD0000000, s2;
	s6 =	simm.s32 $0x108;
	_ =	swait.ge @!p0 [sflag:s8], $0x0  }
0x24: {  	s3 =	sadd.s32 $0x88, s3;
	s6 =	simm.s32 @!p1 $0x1082;
	[sflag:s4] =	ssyncset.s32 $0xFFFFF086  }
0x25: {  	[simem:s6], [sflag:s4] =	dma.local [hbm:s3], $0xF7A  }
0x26: {  	[smem:$0x3F93] =	sst s1;
	(tag) =	ssettag s2;
	_ =	strace s9  }
0x27: {  	s1 =	sld [smem:$0x3FA3]  }
0x28: {  	s2 =	sld [smem:$0x3FA4]  }
0x29: {  	s4 =	sld [smem:$0x3FA6]  }
0x2a: {  	p0 =	seq.s32 s5, $0x0;
	s5 =	sld [smem:$0x3FA7]  }
0x2b: {  	s6 =	sld [smem:$0x3FA8]  }
0x2c: {  	s7 =	sld [smem:$0x3FA9]  }
0x2d: {  	s3 =	simm.s32 $0x108;
	s8 =	sld [smem:$0x3FAA]  }
0x2e: {  	s3 =	simm.s32 @!p0 $0x1082;
	s9 =	sld [smem:$0x3FAB]  }
0x2f: {  	lr =	sadd.s32 s0, s3;
	s0 =	sld [smem:$0x3FA2]  }
0x30: {  	s3 =	sld [smem:$0x3FA5]  }
0x31: {  	[smem:$0x3FAE] =	sst s10  }
0x32: {  	s10 =	sld [smem:$0x3FAC];
	_ =	sdelay $0x3  }
0x33: {  	p0 =	seq.s32 s10, $0x1;
	s10 =	sld [smem:$0x3FAE];
	_ =	sdelay $0x3  }
0x34: {  	[smem:$0x3FAE] =	sst s10  }
0x35: {  	s10 =	sld [smem:$0x3FAD];
	_ =	sdelay $0x3  }
0x36: {  	p1 =	seq.s32 s10, $0x1;
	s10 =	sld [smem:$0x3FAE];
	_ =	sdelay $0x3  }
0x37: {  	[smem:$0x3FAE] =	sst s10  }
0x38: {  	s10 =	sld [smem:$0x3FAF]  }
0x39: {  	_ = 	snop;
	(pc) =	sbr.ind lr, $3  }
0x3a: {  	_ = 	snop  }
0x3b: {  	_ = 	snop  }
0x3c: {  	p2 =	seq.s32 s10, $0x1;
	s10 =	sld [smem:$0x3FAE]  }
0x3d: {  	_ =	shalt  }
0x3e: {  	_ =	shalt  }
0x3f: {  	_ =	shalt  }
0x40: {  	_ =	shalt  }
0x41: {  	_ =	shalt  }
0x42: {  	_ =	shalt  }
0x43: {  	_ =	shalt  }
0x44: {  	_ =	shalt  }
0x45: {  	_ =	shalt  }
0x46: {  	_ =	shalt  }
0x47: {  	_ =	shalt  }
0x48: {  	_ =	shalt  }
0x49: {  	_ =	shalt  }
0x4a: {  	_ =	shalt  }
0x4b: {  	_ =	shalt  }
0x4c: {  	_ =	shalt  }
0x4d: {  	_ =	shalt  }
0x4e: {  	_ =	shalt  }
0x4f: {  	_ =	shalt  }
0x50: {  	_ =	shalt  }
0x51: {  	_ =	shalt  }
0x52: {  	_ =	shalt  }
0x53: {  	_ =	shalt  }
0x54: {  	_ =	shalt  }
0x55: {  	_ =	shalt  }
0x56: {  	_ =	shalt  }
0x57: {  	_ =	shalt  }
0x58: {  	_ =	shalt  }
0x59: {  	_ =	shalt  }
0x5a: {  	_ =	shalt  }
0x5b: {  	_ =	shalt  }
0x5c: {  	_ =	shalt  }
0x5d: {  	_ =	shalt  }
0x5e: {  	_ =	shalt  }
0x5f: {  	_ =	shalt  }
0x60: {  	_ =	shalt  }
0x61: {  	_ =	shalt  }
0x62: {  	_ =	shalt  }
0x63: {  	_ =	shalt  }
0x64: {  	_ =	shalt  }
0x65: {  	_ =	shalt  }
0x66: {  	_ =	shalt  }
0x67: {  	_ =	shalt  }
0x68: {  	_ =	shalt  }
0x69: {  	_ =	shalt  }
0x6a: {  	_ =	shalt  }
0x6b: {  	_ =	shalt  }
0x6c: {  	_ =	shalt  }
0x6d: {  	_ =	shalt  }
0x6e: {  	_ =	shalt  }
0x6f: {  	_ =	shalt  }
0x70: {  	_ =	shalt  }
0x71: {  	_ =	shalt  }
0x72: {  	_ =	shalt  }
0x73: {  	_ =	shalt  }
0x74: {  	_ =	shalt  }
0x75: {  	_ =	shalt  }
0x76: {  	_ =	shalt  }
0x77: {  	_ =	shalt  }
0x78: {  	_ =	shalt  }
0x79: {  	_ =	shalt  }
0x7a: {  	_ =	shalt  }
0x7b: {  	_ =	shalt  }
0x7c: {  	_ =	shalt  }
0x7d: {  	_ =	shalt  }
0x7e: {  	_ =	shalt  }
0x7f: {  	_ =	shalt  }
0x80: {  	_ =	shalt  }
0x81: {  	_ =	shalt  }
0x82: {  	_ =	shalt  }
0x83: {  	_ =	shalt  }
0x84: {  	_ =	shalt  }
0x85: {  	_ =	shalt  }
0x86: {  	_ =	shalt  }
0x87: {  	_ =	shalt  }
.Lfunc_end0:
.L_simem_size_0:
called_computation_lowered:
.L_overlay_start_0:
0x88: {  	s2 =	sld [smem:$0x3FD9]  }
0x89: {  	s3 =	sld [smem:$0x3FFE];
	_ =	sdelay $0x1  }
0x8a: {  	s1 =	srdreg.scid  }
0x8b: {  	s0 =	sand.u32 $0x1, s1  }
0x8c: {  	s17 =	sshll.u32 s0, $0xA;
	s2 =	sadd.s32 s3, s2  }
0x8d: {  	s2 =	sadd.s32 s2, s17  }
0x8e: {  	[smem:$0x3FBA] =	sst s2  }
0x8f: {  	_ = 	snop  }
0x90: {  	s2 =	sld [smem:$0x3FC7];
	(tm) =	ssettm $0x1  }
0x91: {  	s18 =	sld [smem:$0x3FFB];
	_ =	sdelay $0x3  }
0x92: {  	_ =	strace s18  }
0x93: {  	s3 =	sld [smem:$0x3FFC];
	_ =	sdelay $0x3  }
0x94: {  	_ =	strace s3  }
0x95: {  	s3 =	sld [smem:$0x3FFD];
	_ =	sdelay $0x3  }
0x96: {  	_ =	strace s3  }
0x97: {  	_ =	strace $0x8FFFFFFF  }
0x98: {  	s19 =	sld [smem:$0x3FDB];
	_ =	sdelay $0x1  }
0x99: {  	s4 =	simm.s32 $_scs_section_size  }
0x9a: {  	s5 =	simm.s32 $_size__tile_overlayer_lowered;
	s6 =	simm.s32 $_tile_overlayer_lowered  }
0x9b: {  	s22 =	simm.s32 $0x1BFF;
	s21 =	sshll.u32 s6, $0x1;
	s3 =	sadd.s32 s4, s19  }
0x9c: {  	s7 =	simm.s32 $0x0;
	s20 =	sshll.u32 s5, $0x1;
	s5 =	sadd.s32 s21, s3  }
0x9d: {  	[timem:s7], [sflag:s22] =	dma.local [hbm:s5], s20  }
0x9e: {  	_ =	swait.ge [sflag:s22], s20  }
0x9f: {  	s4 =	ssub.s32 $0x0, s20;
	[sflag:s22] =	ssyncset.done $0x0  }
0xa0: {  	[sflag:s22] =	ssyncadd.s32 s4;
	_ =	sdelay $0x1  }
0xa1: {  	s23 =	simm.s32 $0x1B8B  }
0xa2: {  	_ =	swait.ge [sflag:s23], $0x1  }
0xa3: {  	[sflag:s23] =	ssyncset.done $0x0  }
0xa4: {  	s25 =	simm.s32 $0x1B8E;
	s24 =	sld [smem:$0x3FFE];
	[sflag:s23] =	ssyncadd.s32 $0xFFFFFFFF  }
0xa5: {  	s26 =	simm.s32 $execute0_lowered;
	[smem:$0x3FD2] =	sst s25  }
0xa6: {  	s5 =	sshll.u32 s26, $0x1;
	_ =	strace $0x80000046;
	[dreg:$0x1] =	wrdreg $0xFFFFFFFF  }
0xa7: {  	s28 =	simm.s32 $_size_execute0_lowered;
	s3 =	sadd.s32 s3, s5;
	[dreg:$0x0] =	wrdreg $0x0  }
0xa8: {  	s5 =	sshll.u32 s28, $0x1;
	[dreg:$0x2] =	wrdreg s3  }
0xa9: {  	[dreg:$0x3] =	wrdreg s5  }
0xaa: {  	[dreg:$0x4] =	wrdreg $0xC0  }
0xab: {  	_ =	task [dreg:s7], $0x5FFFF  }
0xac: {  	[dreg:$0x1] =	wrdreg $0xFFFFFFFF  }
0xad: {  	[dreg:$0x0] =	wrdreg $0x60  }
0xae: {  	[dreg:$0x2] =	wrdreg s24  }
0xaf: {  	[dreg:$0x3] =	wrdreg s2  }
0xb0: {  	[dreg:$0x4] =	wrdreg $0x9  }
0xb1: {  	_ =	task.clear_ibuf [dreg:s7], $0x5FFFF;
	_ =	strace $0x90000046  }
0xb2: {  	s29 =	simm.s32 $0x9;
	_ =	strace $0x80000048  }
0xb3: {  	_ =	swait.ge [sflag:s29], $0x1  }
0xb4: {  	[sflag:s29] =	ssyncadd.s32 $0xFFFFFFFF  }
0xb5: {  	_ =	strace $0x90000048  }
0xb6: {  	_ =	sfence  }
0xb7: {  	s30 =	sld [smem:$0x0];
	_ =	sdelay $0x2  }
0xb8: {  	s31 =	sshll.u32 s1, $0xD;
	s1 =	sshrl.u32 s1, $0x2  }
0xb9: {  	s3 =	sand.u32 $0x4000, s31;
	s1 =	sadd.s32 s1, s30  }
0xba: {  	s0 =	sor.u32 s3, s0;
	s1 =	sshll.u32 s1, $0x11  }
0xbb: {  	s0 =	sor.u32 s1, s0  }
0xbc: {  	s0 =	sadd.s32 $0x8F2B, s0  }
0xbd: {  	[sflag:s0] =	ssyncadd.remote.s32 $0x1  }
0xbe: {  	_ =	sfence.sel $0xFFFF  }
0xbf: {  	[dreg:$0x0] =	wrdreg $0xFFFFFFFF;
	(pc) =	sbr.abs _section_cstart, $3  }
0xc0: {  	[dreg:$0x1] =	wrdreg $0xFFFFFFFF  }
0xc1: {  	_ =	task.clear_ibuf [dreg:s7], $0x2FFFF;
	_ =	strace $0x9FFFFFFF  }
0xc2: {  	(tm) =	ssettm $0x7FFFFFFF  }
0xc3: {  	_ =	shalt  }
tec
execute0_lowered:
.L_overlay_start_1:
0x0: {  	(tag) =	ssettag $0x1  }
0x1: {  	s0 =	rddreg [dreg:$0x0]  }
0x2: {  	s2 =	rddreg [dreg:$0x1]  }
0x3: {  	s4 =	srdreg.scid;
	s1 =	stileid.u32;
	s3 =	simm.s32 $0x0  }
0x4: {  	s9 =	simm.s32 $0x3;
	s10 =	simm.s32 $0x200;
	s11 =	simm.s32 $0xA00  }
0x5: {  	s12 =	simm.s32 $0x1200;
	s13 =	simm.s32 $0x1A00;
	s14 =	simm.s32 $0x2200  }
0x6: {  	s15 =	simm.s32 $0x2A00;
	s16 =	simm.s32 $0x3200;
	s17 =	simm.s32 $0x3A00  }
0x7: {  	s18 =	simm.s32 $0x4200;
	s19 =	simm.s32 $0x4A00;
	s20 =	simm.s32 $0x5200  }
0x8: {  	s21 =	simm.s32 $0x5A00;
	s22 =	simm.s32 $0x6200;
	s23 =	simm.s32 $0x6A00  }
0x9: {  	s24 =	simm.s32 $0x7200;
	s28 =	simm.s32 $0x8A00;
	s29 =	simm.s32 $0x9200  }
0xa: {  	s30 =	simm.s32 $0x9A00;
	s4 =	sand.u32 $0x1, s4;
	s5 =	sshll.u32 s1, $0x1  }
0xb: {  	s31 =	simm.s32 $0x1;
	[smem:$0x7FF] =	sst s3;
	s5 =	sor.u32 s4, s5  }
0xc: {  	_ =	strace $0x80000047;
	s4 =	ssub.s32 $0x2, s4;
	s7 =	smul.u32 $0x14000, s5  }
0xd: {  	s6 =	sshll.u32 s5, $0x6;
	s8 =	sshrl.u32 s4, $0x1;
	s5 =	smul.u32 $0x2800, s5  }
0xe: {  	s6 =	sadd.s32 s6, s0;
	s0 =	sadd.s32 $0x2E00, s0;
	s8 =	ssub.s32 s4, s8  }
0xf: {  	s25 =	sadd.s32 $0x2600, s6;
	s26 =	sshrl.u32 s7, $0x3;
	s4 =	sadd.s32 s0, s5  }
0x10: {  	v2 =	vlaneseq.u32;
	s8 =	smax.u32 s8, $0x1;
	[dreg:$0x3] =	wrdreg s25;
	s0 =	sadd.s32 s0, s26  }
0x11: {  	vm0 =	vmmov $0xffff;
	v1 =	vshrl.u32 v2, $0x3;
	s25 =	simm.s32 $0x7A00;
	s26 =	simm.s32 $0x8200;
	s5 =	sadd.s32 $0xA00, s0  }
0x12: {  	v0 =	vand.u32 $0x7, v2;
	v2 =	vor.u32 $0x8, v2;
	v1 =	vmul.u32 $0x8, v1;
	s6 =	sadd.s32 $0x1400, s0;
	s7 =	sadd.s32 $0x1E00, s0;
	s0 =	simm.s32 $0x2  }
.LBB2_1:
0x13: {  	s1 =	rddreg [dreg:$0x3]  }
0x14: {  	[tilespmem:s3], [sflag:$0x3] =	stream.linear.gather [hbm4b:s1+s3], $0x200, $0x38;
	[tilespmem:$0xA200] =	vst v63  }
0x15: {  	_ =	swait.ge [sflag:s9], $0x200  }
0x16: {  	[sflag:s9] =	ssyncset.done $0x0  }
0x17: {  	[sflag:s9] =	ssyncadd.s32 $0xFFFFFE00  }
0x18: {  	v3 =	vld [tilespmem:$0x0];
	_ =	sdelay $0x4  }
0x19: {  	v4 =	vshll.u32 v3, $0x1  }
0x1a: {  	v3 =	vand.u32 $0x7, v3;
	v4 =	vand.u32 $0xFFFFFFF0, v4  }
0x1b: {  	v3 =	vor.u32 v3, v4  }
0x1c: {  	v4 =	vperm.xlane v3, v0;
	_ =	sdelay $0x1  }
0x1d: {  	v3 =	vperm.xlane v3, v2;
	v4 =	vadd.s32 v1, v4;
	_ =	sdelay $0x1  }
0x1e: {  	v3 =	vadd.s32 v1, v3;
	_ =	sdelay $0x2  }
0x1f: {  	[tilespmem:s10], [sflag:$0x1] =	stream.indirect_vreg.gather [hbm4b:s2+s3], $0x80, v4, vm0, $0xb8;
	[tilespmem:$0xA200] =	vst v63  }
0x20: {  	_ = 	snop  }
0x21: {  	[tilespmem:s11], [sflag:$0x1] =	stream.indirect_vreg.gather [hbm4b:s2+s3], $0x80, v3, vm0, $0xb8;
	[tilespmem:$0xA200] =	vst v63  }
0x22: {  	v3 =	vld [tilespmem:$0x10];
	_ =	sdelay $0x4  }
0x23: {  	v45 =	vshll.u32 v3, $0x1  }
0x24: {  	v3 =	vand.u32 $0x7, v3;
	v4 =	vand.u32 $0xFFFFFFF0, v45  }
0x25: {  	v3 =	vor.u32 v3, v4  }
0x26: {  	v4 =	vperm.xlane v3, v0;
	_ =	sdelay $0x1  }
0x27: {  	v3 =	vperm.xlane v3, v2;
	v4 =	vadd.s32 v1, v4;
	_ =	sdelay $0x1  }
0x28: {  	v3 =	vadd.s32 v1, v3;
	_ =	sdelay $0x2  }
0x29: {  	[tilespmem:s12], [sflag:$0x1] =	stream.indirect_vreg.gather [hbm4b:s2+s3], $0x80, v4, vm0, $0xb8;
	[tilespmem:$0xA200] =	vst v63  }
0x2a: {  	_ = 	snop  }
0x2b: {  	[tilespmem:s13], [sflag:$0x1] =	stream.indirect_vreg.gather [hbm4b:s2+s3], $0x80, v3, vm0, $0xb8;
	[tilespmem:$0xA200] =	vst v63  }
0x2c: {  	v3 =	vld [tilespmem:$0x20];
	_ =	sdelay $0x4  }
0x2d: {  	v46 =	vshll.u32 v3, $0x1  }
0x2e: {  	v3 =	vand.u32 $0x7, v3;
	v4 =	vand.u32 $0xFFFFFFF0, v46  }
0x2f: {  	v3 =	vor.u32 v3, v4  }
0x30: {  	v4 =	vperm.xlane v3, v0;
	_ =	sdelay $0x1  }
0x31: {  	v3 =	vperm.xlane v3, v2;
	v4 =	vadd.s32 v1, v4;
	_ =	sdelay $0x1  }
0x32: {  	v3 =	vadd.s32 v1, v3;
	_ =	sdelay $0x2  }
0x33: {  	[tilespmem:s14], [sflag:$0x1] =	stream.indirect_vreg.gather [hbm4b:s2+s3], $0x80, v4, vm0, $0xb8;
	[tilespmem:$0xA200] =	vst v63  }
0x34: {  	_ = 	snop  }
0x35: {  	[tilespmem:s15], [sflag:$0x1] =	stream.indirect_vreg.gather [hbm4b:s2+s3], $0x80, v3, vm0, $0xb8;
	[tilespmem:$0xA200] =	vst v63  }
0x36: {  	v3 =	vld [tilespmem:$0x30];
	_ =	sdelay $0x4  }
0x37: {  	v47 =	vshll.u32 v3, $0x1  }
0x38: {  	v3 =	vand.u32 $0x7, v3;
	v4 =	vand.u32 $0xFFFFFFF0, v47  }
0x39: {  	v3 =	vor.u32 v3, v4  }
0x3a: {  	v4 =	vperm.xlane v3, v0;
	_ =	sdelay $0x1  }
0x3b: {  	v3 =	vperm.xlane v3, v2;
	v4 =	vadd.s32 v1, v4;
	_ =	sdelay $0x1  }
0x3c: {  	v3 =	vadd.s32 v1, v3;
	_ =	sdelay $0x2  }
0x3d: {  	[tilespmem:s16], [sflag:$0x1] =	stream.indirect_vreg.gather [hbm4b:s2+s3], $0x80, v4, vm0, $0xb8;
	[tilespmem:$0xA200] =	vst v63  }
0x3e: {  	_ = 	snop  }
0x3f: {  	[tilespmem:s17], [sflag:$0x1] =	stream.indirect_vreg.gather [hbm4b:s2+s3], $0x80, v3, vm0, $0xb8;
	[tilespmem:$0xA200] =	vst v63  }
0x40: {  	v3 =	vld [tilespmem:$0x40];
	_ =	sdelay $0x4  }
0x41: {  	v48 =	vshll.u32 v3, $0x1  }
0x42: {  	v3 =	vand.u32 $0x7, v3;
	v4 =	vand.u32 $0xFFFFFFF0, v48  }
0x43: {  	v3 =	vor.u32 v3, v4  }
0x44: {  	v4 =	vperm.xlane v3, v0;
	_ =	sdelay $0x1  }
0x45: {  	v3 =	vperm.xlane v3, v2;
	v4 =	vadd.s32 v1, v4;
	_ =	sdelay $0x1  }
0x46: {  	v3 =	vadd.s32 v1, v3;
	_ =	sdelay $0x2  }
0x47: {  	[tilespmem:s18], [sflag:$0x1] =	stream.indirect_vreg.gather [hbm4b:s2+s3], $0x80, v4, vm0, $0xb8;
	[tilespmem:$0xA200] =	vst v63  }
0x48: {  	_ = 	snop  }
0x49: {  	[tilespmem:s19], [sflag:$0x1] =	stream.indirect_vreg.gather [hbm4b:s2+s3], $0x80, v3, vm0, $0xb8;
	[tilespmem:$0xA200] =	vst v63  }
0x4a: {  	v3 =	vld [tilespmem:$0x80];
	_ =	sdelay $0x4  }
0x4b: {  	v49 =	vshll.u32 v3, $0x1  }
0x4c: {  	v3 =	vand.u32 $0x7, v3;
	v4 =	vand.u32 $0xFFFFFFF0, v49  }
0x4d: {  	v3 =	vor.u32 v3, v4  }
0x4e: {  	v4 =	vperm.xlane v3, v0;
	_ =	sdelay $0x1  }
0x4f: {  	v3 =	vperm.xlane v3, v2;
	v4 =	vadd.s32 v1, v4;
	_ =	sdelay $0x1  }
0x50: {  	v3 =	vadd.s32 v1, v3;
	_ =	sdelay $0x2  }
0x51: {  	[tilespmem:s20], [sflag:$0x2] =	stream.indirect_vreg.gather [hbm4b:s2+s3], $0x80, v4, vm0, $0xb8;
	[tilespmem:$0xA200] =	vst v63  }
0x52: {  	_ = 	snop  }
0x53: {  	[tilespmem:s21], [sflag:$0x2] =	stream.indirect_vreg.gather [hbm4b:s2+s3], $0x80, v3, vm0, $0xb8;
	[tilespmem:$0xA200] =	vst v63  }
0x54: {  	v3 =	vld [tilespmem:$0x90];
	_ =	sdelay $0x4  }
0x55: {  	v50 =	vshll.u32 v3, $0x1  }
0x56: {  	v3 =	vand.u32 $0x7, v3;
	v4 =	vand.u32 $0xFFFFFFF0, v50  }
0x57: {  	v3 =	vor.u32 v3, v4  }
0x58: {  	v4 =	vperm.xlane v3, v0;
	_ =	sdelay $0x1  }
0x59: {  	v3 =	vperm.xlane v3, v2;
	v4 =	vadd.s32 v1, v4;
	_ =	sdelay $0x1  }
0x5a: {  	v3 =	vadd.s32 v1, v3;
	_ =	sdelay $0x2  }
0x5b: {  	[tilespmem:s22], [sflag:$0x2] =	stream.indirect_vreg.gather [hbm4b:s2+s3], $0x80, v4, vm0, $0xb8;
	[tilespmem:$0xA200] =	vst v63  }
0x5c: {  	_ = 	snop  }
0x5d: {  	[tilespmem:s23], [sflag:$0x2] =	stream.indirect_vreg.gather [hbm4b:s2+s3], $0x80, v3, vm0, $0xb8;
	[tilespmem:$0xA200] =	vst v63  }
0x5e: {  	v3 =	vld [tilespmem:$0xA0];
	_ =	sdelay $0x4  }
0x5f: {  	v51 =	vshll.u32 v3, $0x1  }
0x60: {  	v3 =	vand.u32 $0x7, v3;
	v4 =	vand.u32 $0xFFFFFFF0, v51  }
0x61: {  	v3 =	vor.u32 v3, v4  }
0x62: {  	v4 =	vperm.xlane v3, v0;
	_ =	sdelay $0x1  }
0x63: {  	v3 =	vperm.xlane v3, v2;
	v4 =	vadd.s32 v1, v4;
	_ =	sdelay $0x1  }
0x64: {  	v3 =	vadd.s32 v1, v3;
	_ =	sdelay $0x2  }
0x65: {  	[tilespmem:s24], [sflag:$0x2] =	stream.indirect_vreg.gather [hbm4b:s2+s3], $0x80, v4, vm0, $0xb8;
	[tilespmem:$0xA200] =	vst v63  }
0x66: {  	_ = 	snop  }
0x67: {  	[tilespmem:s25], [sflag:$0x2] =	stream.indirect_vreg.gather [hbm4b:s2+s3], $0x80, v3, vm0, $0xb8;
	[tilespmem:$0xA200] =	vst v63  }
0x68: {  	v3 =	vld [tilespmem:$0xB0];
	_ =	sdelay $0x4  }
0x69: {  	v52 =	vshll.u32 v3, $0x1  }
0x6a: {  	v3 =	vand.u32 $0x7, v3;
	v4 =	vand.u32 $0xFFFFFFF0, v52  }
0x6b: {  	v3 =	vor.u32 v3, v4  }
0x6c: {  	v4 =	vperm.xlane v3, v0;
	_ =	sdelay $0x1  }
0x6d: {  	v3 =	vperm.xlane v3, v2;
	v4 =	vadd.s32 v1, v4;
	_ =	sdelay $0x1  }
0x6e: {  	v3 =	vadd.s32 v1, v3;
	_ =	sdelay $0x2  }
0x6f: {  	[tilespmem:s26], [sflag:$0x2] =	stream.indirect_vreg.gather [hbm4b:s2+s3], $0x80, v4, vm0, $0xb8;
	[tilespmem:$0xA200] =	vst v63  }
0x70: {  	_ = 	snop  }
0x71: {  	[tilespmem:s28], [sflag:$0x2] =	stream.indirect_vreg.gather [hbm4b:s2+s3], $0x80, v3, vm0, $0xb8;
	[tilespmem:$0xA200] =	vst v63  }
0x72: {  	v3 =	vld [tilespmem:$0xC0];
	_ =	sdelay $0x4  }
0x73: {  	v53 =	vshll.u32 v3, $0x1  }
0x74: {  	v3 =	vand.u32 $0x7, v3;
	v4 =	vand.u32 $0xFFFFFFF0, v53  }
0x75: {  	v3 =	vor.u32 v3, v4  }
0x76: {  	v4 =	vperm.xlane v3, v0;
	_ =	sdelay $0x1  }
0x77: {  	v3 =	vperm.xlane v3, v2;
	v4 =	vadd.s32 v1, v4;
	_ =	sdelay $0x1  }
0x78: {  	v3 =	vadd.s32 v1, v3;
	_ =	sdelay $0x2  }
0x79: {  	[tilespmem:s29], [sflag:$0x2] =	stream.indirect_vreg.gather [hbm4b:s2+s3], $0x80, v4, vm0, $0xb8;
	[tilespmem:$0xA200] =	vst v63  }
0x7a: {  	_ = 	snop  }
0x7b: {  	[tilespmem:s30], [sflag:$0x2] =	stream.indirect_vreg.gather [hbm4b:s2+s3], $0x80, v3, vm0, $0xb8;
	[tilespmem:$0xA200] =	vst v63  }
0x7c: {  	_ =	swait.ge [sflag:s31], $0x5000  }
0x7d: {  	[sflag:s31] =	ssyncset.done $0x0  }
0x7e: {  	[sflag:s31] =	ssyncadd.s32 $0xFFFFB000  }
0x7f: {  	[hbm4b:s4+s3] =	stream.linear.scatter [tilespmem:s10], [sflag:$0x3], $0x5000, $0x38;
	[tilespmem:$0xA200] =	vst v63  }
0x80: {  	_ =	swait.ge [sflag:s9], $0x5000  }
0x81: {  	[sflag:s9] =	ssyncset.done $0x0  }
0x82: {  	[sflag:s9] =	ssyncadd.s32 $0xFFFFB000  }
0x83: {  	v3 =	vld [tilespmem:$0x100];
	_ =	sdelay $0x4  }
0x84: {  	v54 =	vshll.u32 v3, $0x1  }
0x85: {  	v3 =	vand.u32 $0x7, v3;
	v4 =	vand.u32 $0xFFFFFFF0, v54  }
0x86: {  	v3 =	vor.u32 v3, v4  }
0x87: {  	v4 =	vperm.xlane v3, v0;
	_ =	sdelay $0x1  }
0x88: {  	v3 =	vperm.xlane v3, v2;
	v4 =	vadd.s32 v1, v4;
	_ =	sdelay $0x1  }
0x89: {  	v3 =	vadd.s32 v1, v3;
	_ =	sdelay $0x2  }
0x8a: {  	[tilespmem:s10], [sflag:$0x1] =	stream.indirect_vreg.gather [hbm4b:s2+s3], $0x80, v4, vm0, $0xb8;
	[tilespmem:$0xA200] =	vst v63  }
0x8b: {  	_ = 	snop  }
0x8c: {  	[tilespmem:s11], [sflag:$0x1] =	stream.indirect_vreg.gather [hbm4b:s2+s3], $0x80, v3, vm0, $0xb8;
	[tilespmem:$0xA200] =	vst v63  }
0x8d: {  	v3 =	vld [tilespmem:$0x110];
	_ =	sdelay $0x4  }
0x8e: {  	v55 =	vshll.u32 v3, $0x1  }
0x8f: {  	v3 =	vand.u32 $0x7, v3;
	v4 =	vand.u32 $0xFFFFFFF0, v55  }
0x90: {  	v3 =	vor.u32 v3, v4  }
0x91: {  	v4 =	vperm.xlane v3, v0;
	_ =	sdelay $0x1  }
0x92: {  	v3 =	vperm.xlane v3, v2;
	v4 =	vadd.s32 v1, v4;
	_ =	sdelay $0x1  }
0x93: {  	v3 =	vadd.s32 v1, v3;
	_ =	sdelay $0x2  }
0x94: {  	[tilespmem:s12], [sflag:$0x1] =	stream.indirect_vreg.gather [hbm4b:s2+s3], $0x80, v4, vm0, $0xb8;
	[tilespmem:$0xA200] =	vst v63  }
0x95: {  	_ = 	snop  }
0x96: {  	[tilespmem:s13], [sflag:$0x1] =	stream.indirect_vreg.gather [hbm4b:s2+s3], $0x80, v3, vm0, $0xb8;
	[tilespmem:$0xA200] =	vst v63  }
0x97: {  	v3 =	vld [tilespmem:$0x120];
	_ =	sdelay $0x4  }
0x98: {  	v56 =	vshll.u32 v3, $0x1  }
0x99: {  	v3 =	vand.u32 $0x7, v3;
	v4 =	vand.u32 $0xFFFFFFF0, v56  }
0x9a: {  	v3 =	vor.u32 v3, v4  }
0x9b: {  	v4 =	vperm.xlane v3, v0;
	_ =	sdelay $0x1  }
0x9c: {  	v3 =	vperm.xlane v3, v2;
	v4 =	vadd.s32 v1, v4;
	_ =	sdelay $0x1  }
0x9d: {  	v3 =	vadd.s32 v1, v3;
	_ =	sdelay $0x2  }
0x9e: {  	[tilespmem:s14], [sflag:$0x1] =	stream.indirect_vreg.gather [hbm4b:s2+s3], $0x80, v4, vm0, $0xb8;
	[tilespmem:$0xA200] =	vst v63  }
0x9f: {  	_ = 	snop  }
0xa0: {  	[tilespmem:s15], [sflag:$0x1] =	stream.indirect_vreg.gather [hbm4b:s2+s3], $0x80, v3, vm0, $0xb8;
	[tilespmem:$0xA200] =	vst v63  }
0xa1: {  	v3 =	vld [tilespmem:$0x130];
	_ =	sdelay $0x4  }
0xa2: {  	v57 =	vshll.u32 v3, $0x1  }
0xa3: {  	v3 =	vand.u32 $0x7, v3;
	v4 =	vand.u32 $0xFFFFFFF0, v57  }
0xa4: {  	v3 =	vor.u32 v3, v4  }
0xa5: {  	v4 =	vperm.xlane v3, v0;
	_ =	sdelay $0x1  }
0xa6: {  	v3 =	vperm.xlane v3, v2;
	v4 =	vadd.s32 v1, v4;
	_ =	sdelay $0x1  }
0xa7: {  	v3 =	vadd.s32 v1, v3;
	_ =	sdelay $0x2  }
0xa8: {  	[tilespmem:s16], [sflag:$0x1] =	stream.indirect_vreg.gather [hbm4b:s2+s3], $0x80, v4, vm0, $0xb8;
	[tilespmem:$0xA200] =	vst v63  }
0xa9: {  	_ = 	snop  }
0xaa: {  	[tilespmem:s17], [sflag:$0x1] =	stream.indirect_vreg.gather [hbm4b:s2+s3], $0x80, v3, vm0, $0xb8;
	[tilespmem:$0xA200] =	vst v63  }
0xab: {  	v3 =	vld [tilespmem:$0x140];
	_ =	sdelay $0x4  }
0xac: {  	v58 =	vshll.u32 v3, $0x1  }
0xad: {  	v3 =	vand.u32 $0x7, v3;
	v4 =	vand.u32 $0xFFFFFFF0, v58  }
0xae: {  	v3 =	vor.u32 v3, v4  }
0xaf: {  	v4 =	vperm.xlane v3, v0;
	_ =	sdelay $0x1  }
0xb0: {  	v3 =	vperm.xlane v3, v2;
	v4 =	vadd.s32 v1, v4;
	_ =	sdelay $0x1  }
0xb1: {  	v3 =	vadd.s32 v1, v3;
	_ =	sdelay $0x2  }
0xb2: {  	[tilespmem:s18], [sflag:$0x1] =	stream.indirect_vreg.gather [hbm4b:s2+s3], $0x80, v4, vm0, $0xb8;
	[tilespmem:$0xA200] =	vst v63  }
0xb3: {  	_ = 	snop  }
0xb4: {  	[tilespmem:s19], [sflag:$0x1] =	stream.indirect_vreg.gather [hbm4b:s2+s3], $0x80, v3, vm0, $0xb8;
	[tilespmem:$0xA200] =	vst v63  }
0xb5: {  	_ =	swait.ge [sflag:s0], $0x5000  }
0xb6: {  	[sflag:s0] =	ssyncset.done $0x0  }
0xb7: {  	[sflag:s0] =	ssyncadd.s32 $0xFFFFB000  }
0xb8: {  	[hbm4b:s5+s3] =	stream.linear.scatter [tilespmem:s20], [sflag:$0x3], $0x5000, $0x38;
	[tilespmem:$0xA200] =	vst v63  }
0xb9: {  	_ =	swait.ge [sflag:s9], $0x5000  }
0xba: {  	[sflag:s9] =	ssyncset.done $0x0  }
0xbb: {  	[sflag:s9] =	ssyncadd.s32 $0xFFFFB000  }
0xbc: {  	v3 =	vld [tilespmem:$0x180];
	_ =	sdelay $0x4  }
0xbd: {  	v59 =	vshll.u32 v3, $0x1  }
0xbe: {  	v3 =	vand.u32 $0x7, v3;
	v4 =	vand.u32 $0xFFFFFFF0, v59  }
0xbf: {  	v3 =	vor.u32 v3, v4  }
0xc0: {  	v4 =	vperm.xlane v3, v0;
	_ =	sdelay $0x1  }
0xc1: {  	v3 =	vperm.xlane v3, v2;
	v4 =	vadd.s32 v1, v4;
	_ =	sdelay $0x1  }
0xc2: {  	v3 =	vadd.s32 v1, v3;
	_ =	sdelay $0x2  }
0xc3: {  	[tilespmem:s20], [sflag:$0x2] =	stream.indirect_vreg.gather [hbm4b:s2+s3], $0x80, v4, vm0, $0xb8;
	[tilespmem:$0xA200] =	vst v63  }
0xc4: {  	_ = 	snop  }
0xc5: {  	[tilespmem:s21], [sflag:$0x2] =	stream.indirect_vreg.gather [hbm4b:s2+s3], $0x80, v3, vm0, $0xb8;
	[tilespmem:$0xA200] =	vst v63  }
0xc6: {  	v3 =	vld [tilespmem:$0x190];
	_ =	sdelay $0x4  }
0xc7: {  	v60 =	vshll.u32 v3, $0x1  }
0xc8: {  	v3 =	vand.u32 $0x7, v3;
	v4 =	vand.u32 $0xFFFFFFF0, v60  }
0xc9: {  	v3 =	vor.u32 v3, v4  }
0xca: {  	v4 =	vperm.xlane v3, v0;
	_ =	sdelay $0x1  }
0xcb: {  	v3 =	vperm.xlane v3, v2;
	v4 =	vadd.s32 v1, v4;
	_ =	sdelay $0x1  }
0xcc: {  	v3 =	vadd.s32 v1, v3;
	_ =	sdelay $0x2  }
0xcd: {  	[tilespmem:s22], [sflag:$0x2] =	stream.indirect_vreg.gather [hbm4b:s2+s3], $0x80, v4, vm0, $0xb8;
	[tilespmem:$0xA200] =	vst v63  }
0xce: {  	_ = 	snop  }
0xcf: {  	[tilespmem:s23], [sflag:$0x2] =	stream.indirect_vreg.gather [hbm4b:s2+s3], $0x80, v3, vm0, $0xb8;
	[tilespmem:$0xA200] =	vst v63  }
0xd0: {  	v3 =	vld [tilespmem:$0x1A0];
	_ =	sdelay $0x4  }
0xd1: {  	v61 =	vshll.u32 v3, $0x1  }
0xd2: {  	v3 =	vand.u32 $0x7, v3;
	v4 =	vand.u32 $0xFFFFFFF0, v61  }
0xd3: {  	v3 =	vor.u32 v3, v4  }
0xd4: {  	v4 =	vperm.xlane v3, v0;
	_ =	sdelay $0x1  }
0xd5: {  	v3 =	vperm.xlane v3, v2;
	v4 =	vadd.s32 v1, v4;
	_ =	sdelay $0x1  }
0xd6: {  	v3 =	vadd.s32 v1, v3;
	_ =	sdelay $0x2  }
0xd7: {  	[tilespmem:s24], [sflag:$0x2] =	stream.indirect_vreg.gather [hbm4b:s2+s3], $0x80, v4, vm0, $0xb8;
	[tilespmem:$0xA200] =	vst v63  }
0xd8: {  	_ = 	snop  }
0xd9: {  	[tilespmem:s25], [sflag:$0x2] =	stream.indirect_vreg.gather [hbm4b:s2+s3], $0x80, v3, vm0, $0xb8;
	[tilespmem:$0xA200] =	vst v63  }
0xda: {  	v3 =	vld [tilespmem:$0x1B0];
	_ =	sdelay $0x4  }
0xdb: {  	v62 =	vshll.u32 v3, $0x1  }
0xdc: {  	v3 =	vand.u32 $0x7, v3;
	v4 =	vand.u32 $0xFFFFFFF0, v62  }
0xdd: {  	v3 =	vor.u32 v3, v4  }
0xde: {  	v4 =	vperm.xlane v3, v0;
	_ =	sdelay $0x1  }
0xdf: {  	v3 =	vperm.xlane v3, v2;
	v4 =	vadd.s32 v1, v4;
	_ =	sdelay $0x1  }
0xe0: {  	v3 =	vadd.s32 v1, v3;
	_ =	sdelay $0x2  }
0xe1: {  	[tilespmem:s26], [sflag:$0x2] =	stream.indirect_vreg.gather [hbm4b:s2+s3], $0x80, v4, vm0, $0xb8;
	[tilespmem:$0xA200] =	vst v63  }
0xe2: {  	_ = 	snop  }
0xe3: {  	[tilespmem:s28], [sflag:$0x2] =	stream.indirect_vreg.gather [hbm4b:s2+s3], $0x80, v3, vm0, $0xb8;
	[tilespmem:$0xA200] =	vst v63  }
0xe4: {  	v3 =	vld [tilespmem:$0x1C0];
	_ =	sdelay $0x4  }
0xe5: {  	v63 =	vshll.u32 v3, $0x1  }
0xe6: {  	v3 =	vand.u32 $0x7, v3;
	v4 =	vand.u32 $0xFFFFFFF0, v63  }
0xe7: {  	v3 =	vor.u32 v3, v4  }
0xe8: {  	v4 =	vperm.xlane v3, v0;
	_ =	sdelay $0x1  }
0xe9: {  	v3 =	vperm.xlane v3, v2;
	v4 =	vadd.s32 v1, v4;
	_ =	sdelay $0x1  }
0xea: {  	v3 =	vadd.s32 v1, v3;
	_ =	sdelay $0x2  }
0xeb: {  	[tilespmem:s29], [sflag:$0x2] =	stream.indirect_vreg.gather [hbm4b:s2+s3], $0x80, v4, vm0, $0xb8;
	[tilespmem:$0xA200] =	vst v63  }
0xec: {  	_ = 	snop  }
0xed: {  	[tilespmem:s30], [sflag:$0x2] =	stream.indirect_vreg.gather [hbm4b:s2+s3], $0x80, v3, vm0, $0xb8;
	[tilespmem:$0xA200] =	vst v63  }
0xee: {  	_ =	swait.ge [sflag:s31], $0x5000  }
0xef: {  	[sflag:s31] =	ssyncset.done $0x0  }
0xf0: {  	[sflag:s31] =	ssyncadd.s32 $0xFFFFB000  }
0xf1: {  	[hbm4b:s6+s3] =	stream.linear.scatter [tilespmem:s10], [sflag:$0x3], $0x5000, $0x38;
	[tilespmem:$0xA200] =	vst v63  }
0xf2: {  	_ =	swait.ge [sflag:s9], $0x5000  }
0xf3: {  	[sflag:s9] =	ssyncset.done $0x0  }
0xf4: {  	[sflag:s9] =	ssyncadd.s32 $0xFFFFB000  }
0xf5: {  	_ =	swait.ge [sflag:s0], $0x5000  }
0xf6: {  	p0 =	sne.s32 s8, $0x1;
	[sflag:s0] =	ssyncset.done $0x0  }
.Ltmp0:
0xf7: {  	[sflag:s0] =	ssyncadd.s32 $0xFFFFB000;
	(pc) =	sbr.rel @p0 .LBB2_1-.Ltmp0, $4  }
0xf8: {  	[hbm4b:s7+s3] =	stream.linear.scatter [tilespmem:s20], [sflag:$0x3], $0x5000, $0x38;
	[tilespmem:$0xA200] =	vst v63  }
0xf9: {  	_ =	swait.ge [sflag:s9], $0x5000  }
0xfa: {  	[sflag:s9] =	ssyncset.done $0x0  }
0xfb: {  	s8 =	sadd.s32 $0xFFFFFFFF, s8;
	[sflag:s9] =	ssyncadd.s32 $0xFFFFB000  }
0xfc: {  	_ =	sfence.sel $0x180000  }
0xfd: {  	[bflag:$0x0] =	sbarrier.arrive $0xFFFF  }
0xfe: {  	_ =	strace $0x90000047  }
0xff: {  	s0 =	stileid.u32;
	[bflag:$0x2] =	sbarrier.arrive $0xFFFF  }
0x100: {  	p0 =	sne.s32 s0, $0x0;
	s0 =	rddreg [dreg:$0x2]  }
0x101: {  	s0 =	sadd.s32 @!p0 $0x100000, s0  }
0x102: {  	[sflag:s0] =	ssyncadd.tile.s32 @!p0 $0x1;
	_ =	shalt  }
.Lfunc_end2:
_tile_overlayer_lowered:
.L_overlay_start_2:
0x103: {  	(tag) =	ssettag $0x2  }
0x104: {  	s0 =	rddreg [dreg:$0x0];
	s2 =	stileid.u32  }
0x105: {  	s1 =	rddreg [dreg:$0x1];
	p0 =	sne.s32 s2, $0x0  }
0x106: {  	s3 =	rddreg [dreg:$0x2];
	[bflag:$0x3] =	sbarrier.arrive $0xFFFF;
	s2 =	simm.s32 @!p0 $0x1C03  }
0x107: {  	[timem:s3], [sflag:s2] =	dma.local @!p0 [hbm:s0], s1  }
0x108: {  	s0 =	simm.s32 @!p0 $0x3  }
0x109: {  	_ =	swait.ge @!p0 [sflag:s0], s1  }
0x10a: {  	s1 =	ssub.s32 @!p0 $0x0, s1;
	[sflag:s0] =	ssyncset.done @!p0 $0x0  }
0x10b: {  	[sflag:s0] =	ssyncadd.s32 @!p0 s1  }
0x10c: {  	[bflag:$0x3] =	sbarrier.arrive $0xFFFF  }
0x10d: {  	_ =	shalt  }

</sc_bundles>
